<compile_context>
chip_gen: v7x
topology: tpu7x:2x2x1
jax: 0.10.2.dev20260603
libtpu: 0.0.44.dev20260713+nightly
codegen_flags: <defaults>
</compile_context>

<pallas_src>
import functools

import jax
import jax.numpy as jnp
from jax import lax
from jax.experimental import pallas as pl
from jax.experimental.pallas import tpu as pltpu
from jax.experimental.pallas import tpu_sc as plsc

B, L, D, K, W = 16, 512, 1024, 32, 5
LK = L - K
BIG = 1 << 30
NEG = -1e30


def _proj_index_body(doc_ref, we_ref, be_ref, wc_ref, bc_ref, wo_ref, bo_ref,
                     emo_ref, con_ref, pred_ref, topk_ref, pair_t_ref,
                     pair_n_ref, gcand_ref, gctx_t_ref, gno_ref, gctx_n_ref,
                     pred_v):
    b = pl.program_id(0)
    x = doc_ref[0]
    dn = (((1,), (1,)), ((), ()))
    emo = lax.dot_general(x, we_ref[...], dn,
                          preferred_element_type=jnp.float32) + be_ref[...]
    con = lax.dot_general(x, wc_ref[...], dn,
                          preferred_element_type=jnp.float32) + bc_ref[...]
    emo_ref[0] = emo
    con_ref[0] = con
    pred = lax.dot_general(wo_ref[...], emo, dn,
                           preferred_element_type=jnp.float32) + bo_ref[0, 0]
    pred_v[pl.ds(b, 1), :] = pred

    @pl.when(b == B - 1)
    def _():
        pred_ref[0] = pred_v[...]
        _index_stage(pred_v[...], topk_ref, pair_t_ref, pair_n_ref,
                     gcand_ref, gctx_t_ref, gno_ref, gctx_n_ref)


def _index_stage(vals, topk_ref, pair_t_ref, pair_n_ref,
                 gcand_ref, gctx_t_ref, gno_ref, gctx_n_ref):
    iota_l = lax.broadcasted_iota(jnp.int32, (B, L), 1)
    iota_k = lax.broadcasted_iota(jnp.int32, (B, K), 1)

    def topk_step(i, carry):
        vals, topk = carry
        m = jnp.max(vals, axis=1, keepdims=True)
        idx = jnp.min(jnp.where(vals == m, iota_l, BIG), axis=1,
                      keepdims=True)
        topk = jnp.where(iota_k == i, idx, topk)
        vals = jnp.where(iota_l == idx, NEG, vals)
        return vals, topk

    topk0 = jnp.zeros((B, K), jnp.int32)
    _, topk = lax.fori_loop(0, K, topk_step, (vals, topk0))
    topk_ref[...] = topk

    def sort_step(i, carry):
        tv, srt = carry
        t = jnp.min(tv, axis=1, keepdims=True)
        srt = jnp.where(iota_k == i, t, srt)
        tv = jnp.where(tv == t, BIG, tv)
        return tv, srt

    _, srt = lax.fori_loop(0, K, sort_step, (topk, topk0))

    v0 = lax.broadcasted_iota(jnp.int32, (B, LK), 1)

    def diff_step(i, v):
        t = jnp.min(jnp.where(iota_k == i, srt, BIG), axis=1, keepdims=True)
        return v + (t <= v).astype(jnp.int32)

    no_idx = lax.fori_loop(0, K, diff_step, v0)

    def expand5(ids, n, w_major):
        src = lax.broadcasted_iota(jnp.int32, (n, W * n), 0)
        j = lax.broadcasted_iota(jnp.int32, (n, W * n), 1)
        dst = (j % n) if w_major else (j // W)
        r = (src == dst).astype(jnp.float32)
        rep = lax.dot_general(ids.astype(jnp.float32), r,
                              (((1,), (0,)), ((), ())),
                              precision=lax.Precision.HIGHEST,
                              preferred_element_type=jnp.float32)
        return rep.astype(jnp.int32)

    def window(rep, n, w_major):
        j = lax.broadcasted_iota(jnp.int32, (B, W * n), 1)
        off = (j // n if w_major else j % W) - 2
        return jnp.clip(rep + off, 0, L - 1)

    def base(n):
        return L * lax.broadcasted_iota(jnp.int32, (B, n), 0)

    rep_t = expand5(topk, K, False)
    rep_n = expand5(no_idx, LK, False)
    pair_t_ref[:, 0, :] = rep_t
    pair_t_ref[:, 1, :] = window(rep_t, K, False)
    pair_n_ref[:, 0, :] = rep_n
    pair_n_ref[:, 1, :] = window(rep_n, LK, False)

    def ctx_w(ids, n):
        return jnp.concatenate(
            [jnp.clip(ids + o, 0, L - 1) for o in range(-2, 3)], axis=1)

    gcand_ref[...] = topk + base(K)
    gno_ref[...] = no_idx + base(LK)
    gctx_t_ref[...] = ctx_w(topk, K) + base(K * W)
    gctx_n_ref[...] = ctx_w(no_idx, LK) + base(LK * W)


def _proj_and_indices(doc, we, be, wc, bc, wo, bo):
    idx_shapes = [(B, K), (B, 2, K * W), (B, 2, LK * W), (B, K), (B, K * W),
                  (B, LK), (B, LK * W)]
    full = lambda s: pl.BlockSpec(s, lambda b: (0,) * len(s))
    return pl.pallas_call(
        _proj_index_body,
        grid=(B,),
        in_specs=[
            pl.BlockSpec((1, L, D), lambda b: (b, 0, 0)),
            full((D, D)),
            full((D,)),
            full((D, D)),
            full((D,)),
            full((1, D)),
            full((1, 1)),
        ],
        out_specs=[
            pl.BlockSpec((1, L, D), lambda b: (b, 0, 0)),
            pl.BlockSpec((1, L, D), lambda b: (b, 0, 0)),
            full((1, B, L)),
        ] + [full(s) for s in idx_shapes],
        out_shape=[
            jax.ShapeDtypeStruct((B, L, D), jnp.float32),
            jax.ShapeDtypeStruct((B, L, D), jnp.float32),
            jax.ShapeDtypeStruct((1, B, L), jnp.float32),
        ] + [jax.ShapeDtypeStruct(s, jnp.int32) for s in idx_shapes],
        scratch_shapes=[pltpu.VMEM((B, L), jnp.float32)],
    )(doc, we, be, wc, bc, wo, bo.reshape(1, 1))


NW = 32
_CHUNK = 40

_TASKS = (
    (K * W * B // NW, 40),
    (LK * W * B // NW, 40),
)


def _sc_gather_body(con_ref, i0_ref, i1_ref, o0_ref, o1_ref,
                    ix0, ix1, buf_v, sem_g, sem_o0, sem_o1):
    wid = lax.axis_index("s") * 2 + lax.axis_index("c")
    idx_refs = (i0_ref, i1_ref)
    idx_bufs = (ix0, ix1)
    out_refs = (o0_ref, o1_ref)
    sem_o = (sem_o0, sem_o1)

    for t, (rows, chunk) in enumerate(_TASKS):
        pltpu.sync_copy(idx_refs[t].at[pl.ds(wid * rows, rows)], idx_bufs[t])

    pending = [None, None]

    def do_chunk(idx_slice, out_slice, slot, chunk):
        if pending[slot] is not None:
            pending[slot].wait()
        pltpu.async_copy(con_ref.at[idx_slice],
                         buf_v.at[slot, pl.ds(0, chunk)], sem_g).wait()
        pending[slot] = pltpu.async_copy(buf_v.at[slot, pl.ds(0, chunk)],
                                         out_slice, sem_o[slot])

    n = 0
    rows, chunk = _TASKS[0]
    for c in range(rows // chunk):
        do_chunk(idx_bufs[0].at[pl.ds(c * chunk, chunk)],
                 out_refs[0].at[pl.ds(wid * rows + c * chunk, chunk)],
                 n % 2, chunk)
        n += 1
    rows, chunk = _TASKS[1]
    nch = rows // chunk

    @pl.loop(0, nch, step=2)
    def _(c0):
        for b in range(2):
            c = c0 + b
            start = pl.multiple_of(c * chunk, chunk)
            obase = pl.multiple_of(wid * rows + c * chunk, chunk)
            pltpu.make_async_copy(buf_v.at[b, pl.ds(0, chunk)],
                                  out_refs[1].at[pl.ds(0, chunk)],
                                  sem_o[b]).wait()
            pltpu.async_copy(con_ref.at[idx_bufs[1].at[pl.ds(start, chunk)]],
                             buf_v.at[b, pl.ds(0, chunk)], sem_g).wait()
            pltpu.async_copy(buf_v.at[b, pl.ds(0, chunk)],
                             out_refs[1].at[pl.ds(obase, chunk)], sem_o[b])

    for b in range(2):
        pltpu.make_async_copy(buf_v.at[b, pl.ds(0, chunk)],
                              out_refs[1].at[pl.ds(0, chunk)],
                              sem_o[b]).wait()


def _sc_gather(con_flat, g_ctx_t, g_ctx_n):
    mesh = plsc.VectorSubcoreMesh(core_axis_name="c", subcore_axis_name="s")
    kern = pl.kernel(
        _sc_gather_body,
        compiler_params=pltpu.CompilerParams(use_tc_tiling_on_sc=True),
        out_type=[
            jax.ShapeDtypeStruct((B * K * W, D), jnp.float32),
            jax.ShapeDtypeStruct((B * LK * W, D), jnp.float32),
        ],
        mesh=mesh,
        scratch_types=[
            pltpu.VMEM((K * W * B // NW,), jnp.int32),
            pltpu.VMEM((LK * W * B // NW,), jnp.int32),
            pltpu.VMEM((2, _CHUNK, D), jnp.float32),
            pltpu.SemaphoreType.DMA,
            pltpu.SemaphoreType.DMA,
            pltpu.SemaphoreType.DMA,
        ],
    )
    return kern(con_flat, g_ctx_t, g_ctx_n)


def _tc_gather_body(gcand_ref, gno_ref, emo_ref, cand_ref, no_ref):
    base = pl.program_id(0) * L

    def run(idx_ref, out_ref, n):
        def cp(i, carry):
            r = idx_ref[0, 0, i] - base
            out_ref[0, pl.ds(i, 1), :] = emo_ref[0, pl.ds(r, 1), :]
            return carry

        lax.fori_loop(0, n, cp, 0)

    run(gcand_ref, cand_ref, K)
    run(gno_ref, no_ref, LK)


def _tc_gather(g_cand, g_no, emo_rep):
    return pl.pallas_call(
        _tc_gather_body,
        grid=(B,),
        in_specs=[
            pl.BlockSpec((1, 1, K), lambda b: (b, 0, 0),
                         memory_space=pltpu.SMEM),
            pl.BlockSpec((1, 1, LK), lambda b: (b, 0, 0),
                         memory_space=pltpu.SMEM),
            pl.BlockSpec((1, L, D), lambda b: (b, 0, 0)),
        ],
        out_specs=[
            pl.BlockSpec((1, K, D), lambda b: (b, 0, 0)),
            pl.BlockSpec((1, LK, D), lambda b: (b, 0, 0)),
        ],
        out_shape=[
            jax.ShapeDtypeStruct((B, K, D), jnp.float32),
            jax.ShapeDtypeStruct((B, LK, D), jnp.float32),
        ],
    )(g_cand.reshape(B, 1, K), g_no.reshape(B, 1, LK), emo_rep)


def kernel(doc_sents_h, W_emo, b_emo, W_con, b_con, W_out, b_out):
    (emo_rep, con_rep, pred, topk, pair_t, pair_n, g_cand, g_ctx_t, g_no,
     g_ctx_n) = _proj_and_indices(
        doc_sents_h, W_emo, b_emo, W_con, b_con, W_out, b_out)
    pred_e = pred.reshape(B, L)

    ctx_clause, ctx_no_clause = _sc_gather(
        con_rep.reshape(B * L, D),
        g_ctx_t.reshape(-1), g_ctx_n.reshape(-1),
    )
    cand, no_clause = _tc_gather(g_cand, g_no, emo_rep)

    return (
        pred_e,
        topk,
        pair_t.transpose(0, 2, 1),
        cand,
        ctx_clause.reshape(B, W, K, D).transpose(0, 2, 1, 3),
        no_clause,
        ctx_no_clause.reshape(B, W, LK, D).transpose(0, 2, 1, 3),
        pair_n.transpose(0, 2, 1),
    )

# --- scband reference (transcript-rebuilt; emitter-appended) ---
"""Pipeline reference for scband-networks-72121090834433 (READ-ONLY COPY).

The authoritative reference and input builder live on the scoring server;
editing this copy changes nothing except your own understanding.
"""

import jax, jax.numpy as jnp
import numpy as np

B, L, D, K, W = 16, 512, 1024, 32, 5


def setup_inputs(seed: int = 0) -> dict:
    key = jax.random.key(seed)
    ks = jax.random.split(key, 6)
    return {
        "doc_sents_h": jax.random.normal(ks[0], (B, L, D), dtype=jnp.float32),
        "W_emo": jax.random.normal(ks[1], (D, D), dtype=jnp.float32) * 0.02,
        "b_emo": jnp.zeros((D,), dtype=jnp.float32),
        "W_con": jax.random.normal(ks[2], (D, D), dtype=jnp.float32) * 0.02,
        "b_con": jnp.zeros((D,), dtype=jnp.float32),
        "W_out": jax.random.normal(ks[3], (1, D), dtype=jnp.float32) * 0.02,
        "b_out": jnp.zeros((1,), dtype=jnp.float32),
    }


def _gather_rows(x, idx):
    # x: [B, L, D], idx: [B, N] -> [B, N, D]  (torch gather with expanded dummy)
    dummy = jnp.broadcast_to(idx[:, :, None], (x.shape[0], idx.shape[1], x.shape[2]))
    return jnp.take_along_axis(x, dummy, axis=1)


def reference(doc_sents_h, W_emo, b_emo, W_con, b_con, W_out, b_out):
    bsz, doc_len, d = doc_sents_h.shape
    # emo_trans / con_trans (dropout = identity in eval mode)
    emo_rep = doc_sents_h @ W_emo.T + b_emo
    con_rep = doc_sents_h @ W_con.T + b_con
    # out_e -> pred_e [B, L]
    pred_e = (emo_rep @ W_out.T + b_out)[..., 0]
    # top-k emotion clause selection
    _, emotion_oriented_index = jax.lax.top_k(pred_e, K)
    # emotion_index_select
    cand_emotion_clause = _gather_rows(emo_rep, emotion_oriented_index)
    # gen_window: offsets -2..2, clamp to [0, doc_len-1]
    offsets = jnp.arange(-2, 3)
    context_emotion_index = jnp.clip(
        emotion_oriented_index[:, :, None] + offsets[None, None, :], 0, doc_len - 1
    )  # [B, K, W]
    # context_index_select
    context_clause = _gather_rows(
        con_rep, context_emotion_index.reshape(bsz, K * W)
    ).reshape(bsz, K, W, d)
    # gen_pairs (returned as int array [B, K*W, 2] instead of python lists)
    pair_emotion_oriented_index = jnp.stack(
        [
            jnp.repeat(emotion_oriented_index, W, axis=1),
            context_emotion_index.reshape(bsz, K * W),
        ],
        axis=-1,
    )
    # build_no_emotion_origented_index: setdiff1d(arange(doc_len), topk_idx) per row
    def _setdiff(row_idx):
        m = jnp.ones((doc_len,), dtype=bool).at[row_idx].set(False)
        return jnp.nonzero(m, size=doc_len - K)[0]

    no_emotion_oriented_index = jax.vmap(_setdiff)(emotion_oriented_index)  # [B, L-K]
    no_emotion_clause = _gather_rows(emo_rep, no_emotion_oriented_index)
    context_no_emotion_index = jnp.clip(
        no_emotion_oriented_index[:, :, None] + offsets[None, None, :], 0, doc_len - 1
    )  # [B, L-K, W]
    context_no_emotion_clause = _gather_rows(
        con_rep, context_no_emotion_index.reshape(bsz, (doc_len - K) * W)
    ).reshape(bsz, doc_len - K, W, d)
    pair_no_emotion_oriented_index = jnp.stack(
        [
            jnp.repeat(no_emotion_oriented_index, W, axis=1),
            context_no_emotion_index.reshape(bsz, (doc_len - K) * W),
        ],
        axis=-1,
    )
    return (
        pred_e,
        emotion_oriented_index,
        pair_emotion_oriented_index,
        cand_emotion_clause,
        context_clause,
        no_emotion_clause,
        context_no_emotion_clause,
        pair_no_emotion_oriented_index,
    )

if __name__ == "__main__":
    import jax
    _d = setup_inputs()
    print(jax.jit(kernel)(*tuple(_d.values())))

</pallas_src>

<mosaic_0001>
#map = affine_map<(d0, d1) -> (0, 0)>
#map1 = affine_map<(d0, d1) -> (0)>
module attributes {stable_mosaic.version = 14 : i64} {
  func.func @_sc_gather_body(%arg0: i32, %arg1: i32, %arg2: memref<8192x1024xf32, #tpu.memory_space<hbm>>, %arg3: memref<2560xi32, #tpu.memory_space<hbm>>, %arg4: memref<38400xi32, #tpu.memory_space<hbm>>, %arg5: memref<2560x1024xf32, #tpu.memory_space<hbm>>, %arg6: memref<38400x1024xf32, #tpu.memory_space<hbm>>, %arg7: memref<80xi32, #tpu.memory_space<vmem>>, %arg8: memref<1200xi32, #tpu.memory_space<vmem>>, %arg9: memref<2x40x1024xf32, #tpu.memory_space<vmem>>, %arg10: memref<!tpu.dma_semaphore, #tpu.memory_space<semaphore_mem>>, %arg11: memref<!tpu.dma_semaphore, #tpu.memory_space<semaphore_mem>>, %arg12: memref<!tpu.dma_semaphore, #tpu.memory_space<semaphore_mem>>) attributes {dimension_semantics = [#tpu.dimension_semantics<core_parallel>, #tpu.dimension_semantics<subcore_parallel>], iteration_bounds = array<i64: 2, 16>, scalar_prefetch = 0 : i64, scratch_operands = 6 : i64, tpu.core_type = #tpu.core_type<sc_vector_subcore>, window_params = [{transform_indices = #map}, {transform_indices = #map1}, {transform_indices = #map1}, {transform_indices = #map}, {transform_indices = #map}]} {
    %mul3A = arith.constant 2 : i32
    %mul3A_0 = arith.muli %arg1, %mul3A : i32
    %add3A = arith.addi %mul3A_0, %arg0 : i32
    %mul3A_1 = arith.constant 80 : i32
    %mul3A_2 = arith.muli %add3A, %mul3A_1 : i32
    "tpu.region"() ({
      %run_scoped3A = tpu.sem_alloc : memref<!tpu.dma_semaphore, #tpu.memory_space<semaphore_mem>>
      %dma_start3A_111 = tpu.memref_slice %arg3[%mul3A_2] : memref<2560xi32, #tpu.memory_space<hbm>> -> memref<80xi32, #tpu.memory_space<hbm>>
      %dma_start3A_112 = tpu.memref_slice %arg3[%mul3A_2] : memref<2560xi32, #tpu.memory_space<hbm>> -> memref<80xi32, #tpu.memory_space<hbm>>
      tpu.enqueue_dma source(%dma_start3A_112 : memref<80xi32, #tpu.memory_space<hbm>>) target(%arg7 : memref<80xi32, #tpu.memory_space<vmem>>) target_semaphore(%run_scoped3A : memref<!tpu.dma_semaphore, #tpu.memory_space<semaphore_mem>>)
      %dma_wait3A_113 = tpu.memref_slice %arg3[%mul3A_2] : memref<2560xi32, #tpu.memory_space<hbm>> -> memref<80xi32, #tpu.memory_space<hbm>>
      %dma_wait3A_114 = tpu.memref_slice %arg3[%mul3A_2] : memref<2560xi32, #tpu.memory_space<hbm>> -> memref<80xi32, #tpu.memory_space<hbm>>
      tpu.wait_dma2 semaphore(%run_scoped3A : memref<!tpu.dma_semaphore, #tpu.memory_space<semaphore_mem>>) src(%dma_wait3A_114 : memref<80xi32, #tpu.memory_space<hbm>>) dst(%arg7 : memref<80xi32, #tpu.memory_space<vmem>>)
      tpu.yield
    }) : () -> ()
    %mul3A_3 = arith.constant 1200 : i32
    %mul3A_4 = arith.muli %add3A, %mul3A_3 : i32
    "tpu.region"() ({
      %run_scoped3A = tpu.sem_alloc : memref<!tpu.dma_semaphore, #tpu.memory_space<semaphore_mem>>
      %dma_start3A_111 = tpu.memref_slice %arg4[%mul3A_4] : memref<38400xi32, #tpu.memory_space<hbm>> -> memref<1200xi32, #tpu.memory_space<hbm>>
      %dma_start3A_112 = tpu.memref_slice %arg4[%mul3A_4] : memref<38400xi32, #tpu.memory_space<hbm>> -> memref<1200xi32, #tpu.memory_space<hbm>>
      tpu.enqueue_dma source(%dma_start3A_112 : memref<1200xi32, #tpu.memory_space<hbm>>) target(%arg8 : memref<1200xi32, #tpu.memory_space<vmem>>) target_semaphore(%run_scoped3A : memref<!tpu.dma_semaphore, #tpu.memory_space<semaphore_mem>>)
      %dma_wait3A_113 = tpu.memref_slice %arg4[%mul3A_4] : memref<38400xi32, #tpu.memory_space<hbm>> -> memref<1200xi32, #tpu.memory_space<hbm>>
      %dma_wait3A_114 = tpu.memref_slice %arg4[%mul3A_4] : memref<38400xi32, #tpu.memory_space<hbm>> -> memref<1200xi32, #tpu.memory_space<hbm>>
      tpu.wait_dma2 semaphore(%run_scoped3A : memref<!tpu.dma_semaphore, #tpu.memory_space<semaphore_mem>>) src(%dma_wait3A_114 : memref<1200xi32, #tpu.memory_space<hbm>>) dst(%arg8 : memref<1200xi32, #tpu.memory_space<vmem>>)
      tpu.yield
    }) : () -> ()
    %mul3A_5 = arith.constant 80 : i32
    %mul3A_6 = arith.muli %add3A, %mul3A_5 : i32
    %add3A_7 = arith.constant 0 : i32
    %add3A_8 = arith.addi %mul3A_6, %add3A_7 : i32
    %dma_start3A = arith.constant 0 : i32
    %dma_start3A_9 = arith.constant 0 : i32
    %dma_start3A_10 = arith.constant 0 : i32
    %dma_start3A_11 = tpu.memref_slice %arg9[%dma_start3A, %dma_start3A_9, %dma_start3A_10] : memref<2x40x1024xf32, #tpu.memory_space<vmem>> -> memref<1x40x1024xf32, #tpu.memory_space<vmem>>
    %dma_start3A_12 = tpu.memref_squeeze %dma_start3A_11 : memref<1x40x1024xf32, #tpu.memory_space<vmem>> -> memref<40x1024xf32, #tpu.memory_space<vmem>>
    %dma_start3A_13 = arith.constant 0 : i32
    %dma_start3A_14 = tpu.memref_slice %arg7[%dma_start3A_13] : memref<80xi32, #tpu.memory_space<vmem>> -> memref<40xi32, #tpu.memory_space<vmem>>
    %dma_start3A_15 = arith.constant 0 : i32
    %dma_start3A_16 = arith.constant 0 : i32
    %dma_start3A_17 = tpu.memref_slice %arg2[%dma_start3A_15, %dma_start3A_16] : memref<8192x1024xf32, #tpu.memory_space<hbm>> -> memref<8192x1024xf32, #tpu.memory_space<hbm>>
    tpu.enqueue_indirect_dma source(%dma_start3A_17 : memref<8192x1024xf32, #tpu.memory_space<hbm>>) target(%dma_start3A_12 : memref<40x1024xf32, #tpu.memory_space<vmem>>) offsets(%dma_start3A_14 : memref<40xi32, #tpu.memory_space<vmem>>) semaphore(%arg10 : memref<!tpu.dma_semaphore, #tpu.memory_space<semaphore_mem>>)
    %dma_wait3A = arith.constant 0 : i32
    %dma_wait3A_18 = arith.constant 0 : i32
    %dma_wait3A_19 = arith.constant 0 : i32
    %dma_wait3A_20 = tpu.memref_slice %arg9[%dma_wait3A, %dma_wait3A_18, %dma_wait3A_19] : memref<2x40x1024xf32, #tpu.memory_space<vmem>> -> memref<1x40x1024xf32, #tpu.memory_space<vmem>>
    %dma_wait3A_21 = tpu.memref_squeeze %dma_wait3A_20 : memref<1x40x1024xf32, #tpu.memory_space<vmem>> -> memref<40x1024xf32, #tpu.memory_space<vmem>>
    %dma_wait3A_22 = arith.constant 0 : i32
    %dma_wait3A_23 = tpu.memref_slice %arg7[%dma_wait3A_22] : memref<80xi32, #tpu.memory_space<vmem>> -> memref<40xi32, #tpu.memory_space<vmem>>
    %dma_wait3A_24 = arith.constant 0 : i32
    %dma_wait3A_25 = arith.constant 0 : i32
    %dma_wait3A_26 = tpu.memref_slice %arg2[%dma_wait3A_24, %dma_wait3A_25] : memref<8192x1024xf32, #tpu.memory_space<hbm>> -> memref<8192x1024xf32, #tpu.memory_space<hbm>>
    tpu.wait_indirect_dma semaphore(%arg10 : memref<!tpu.dma_semaphore, #tpu.memory_space<semaphore_mem>>) src(%dma_wait3A_26 : memref<8192x1024xf32, #tpu.memory_space<hbm>>) dst(%dma_wait3A_21 : memref<40x1024xf32, #tpu.memory_space<vmem>>)
    %dma_start3A_27 = arith.constant 0 : i32
    %dma_start3A_28 = arith.constant 0 : i32
    %dma_start3A_29 = arith.constant 0 : i32
    %dma_start3A_30 = tpu.memref_slice %arg9[%dma_start3A_27, %dma_start3A_28, %dma_start3A_29] : memref<2x40x1024xf32, #tpu.memory_space<vmem>> -> memref<1x40x1024xf32, #tpu.memory_space<vmem>>
    %dma_start3A_31 = tpu.memref_squeeze %dma_start3A_30 : memref<1x40x1024xf32, #tpu.memory_space<vmem>> -> memref<40x1024xf32, #tpu.memory_space<vmem>>
    %dma_start3A_32 = arith.constant 0 : i32
    %dma_start3A_33 = tpu.memref_slice %arg5[%add3A_8, %dma_start3A_32] : memref<2560x1024xf32, #tpu.memory_space<hbm>> -> memref<40x1024xf32, #tpu.memory_space<hbm>>
    %dma_start3A_34 = arith.constant 0 : i32
    %dma_start3A_35 = tpu.memref_slice %arg5[%add3A_8, %dma_start3A_34] : memref<2560x1024xf32, #tpu.memory_space<hbm>> -> memref<40x1024xf32, #tpu.memory_space<hbm>>
    %dma_start3A_36 = arith.constant 0 : i32
    %dma_start3A_37 = arith.constant 0 : i32
    %dma_start3A_38 = tpu.memref_slice %arg9[%dma_start3A_27, %dma_start3A_36, %dma_start3A_37] : memref<2x40x1024xf32, #tpu.memory_space<vmem>> -> memref<1x40x1024xf32, #tpu.memory_space<vmem>>
    %dma_start3A_39 = tpu.memref_squeeze %dma_start3A_38 : memref<1x40x1024xf32, #tpu.memory_space<vmem>> -> memref<40x1024xf32, #tpu.memory_space<vmem>>
    tpu.enqueue_dma source(%dma_start3A_39 : memref<40x1024xf32, #tpu.memory_space<vmem>>) target(%dma_start3A_35 : memref<40x1024xf32, #tpu.memory_space<hbm>>) target_semaphore(%arg11 : memref<!tpu.dma_semaphore, #tpu.memory_space<semaphore_mem>>)
    %mul3A_40 = arith.constant 80 : i32
    %mul3A_41 = arith.muli %add3A, %mul3A_40 : i32
    %add3A_42 = arith.constant 40 : i32
    %add3A_43 = arith.addi %mul3A_41, %add3A_42 : i32
    %dma_start3A_44 = arith.constant 1 : i32
    %dma_start3A_45 = arith.constant 0 : i32
    %dma_start3A_46 = arith.constant 0 : i32
    %dma_start3A_47 = tpu.memref_slice %arg9[%dma_start3A_44, %dma_start3A_45, %dma_start3A_46] : memref<2x40x1024xf32, #tpu.memory_space<vmem>> -> memref<1x40x1024xf32, #tpu.memory_space<vmem>>
    %dma_start3A_48 = tpu.memref_squeeze %dma_start3A_47 : memref<1x40x1024xf32, #tpu.memory_space<vmem>> -> memref<40x1024xf32, #tpu.memory_space<vmem>>
    %dma_start3A_49 = arith.constant 40 : i32
    %dma_start3A_50 = tpu.memref_slice %arg7[%dma_start3A_49] : memref<80xi32, #tpu.memory_space<vmem>> -> memref<40xi32, #tpu.memory_space<vmem>>
    %dma_start3A_51 = arith.constant 0 : i32
    %dma_start3A_52 = arith.constant 0 : i32
    %dma_start3A_53 = tpu.memref_slice %arg2[%dma_start3A_51, %dma_start3A_52] : memref<8192x1024xf32, #tpu.memory_space<hbm>> -> memref<8192x1024xf32, #tpu.memory_space<hbm>>
    tpu.enqueue_indirect_dma source(%dma_start3A_53 : memref<8192x1024xf32, #tpu.memory_space<hbm>>) target(%dma_start3A_48 : memref<40x1024xf32, #tpu.memory_space<vmem>>) offsets(%dma_start3A_50 : memref<40xi32, #tpu.memory_space<vmem>>) semaphore(%arg10 : memref<!tpu.dma_semaphore, #tpu.memory_space<semaphore_mem>>)
    %dma_wait3A_54 = arith.constant 1 : i32
    %dma_wait3A_55 = arith.constant 0 : i32
    %dma_wait3A_56 = arith.constant 0 : i32
    %dma_wait3A_57 = tpu.memref_slice %arg9[%dma_wait3A_54, %dma_wait3A_55, %dma_wait3A_56] : memref<2x40x1024xf32, #tpu.memory_space<vmem>> -> memref<1x40x1024xf32, #tpu.memory_space<vmem>>
    %dma_wait3A_58 = tpu.memref_squeeze %dma_wait3A_57 : memref<1x40x1024xf32, #tpu.memory_space<vmem>> -> memref<40x1024xf32, #tpu.memory_space<vmem>>
    %dma_wait3A_59 = arith.constant 40 : i32
    %dma_wait3A_60 = tpu.memref_slice %arg7[%dma_wait3A_59] : memref<80xi32, #tpu.memory_space<vmem>> -> memref<40xi32, #tpu.memory_space<vmem>>
    %dma_wait3A_61 = arith.constant 0 : i32
    %dma_wait3A_62 = arith.constant 0 : i32
    %dma_wait3A_63 = tpu.memref_slice %arg2[%dma_wait3A_61, %dma_wait3A_62] : memref<8192x1024xf32, #tpu.memory_space<hbm>> -> memref<8192x1024xf32, #tpu.memory_space<hbm>>
    tpu.wait_indirect_dma semaphore(%arg10 : memref<!tpu.dma_semaphore, #tpu.memory_space<semaphore_mem>>) src(%dma_wait3A_63 : memref<8192x1024xf32, #tpu.memory_space<hbm>>) dst(%dma_wait3A_58 : memref<40x1024xf32, #tpu.memory_space<vmem>>)
    %dma_start3A_64 = arith.constant 1 : i32
    %dma_start3A_65 = arith.constant 0 : i32
    %dma_start3A_66 = arith.constant 0 : i32
    %dma_start3A_67 = tpu.memref_slice %arg9[%dma_start3A_64, %dma_start3A_65, %dma_start3A_66] : memref<2x40x1024xf32, #tpu.memory_space<vmem>> -> memref<1x40x1024xf32, #tpu.memory_space<vmem>>
    %dma_start3A_68 = tpu.memref_squeeze %dma_start3A_67 : memref<1x40x1024xf32, #tpu.memory_space<vmem>> -> memref<40x1024xf32, #tpu.memory_space<vmem>>
    %dma_start3A_69 = arith.constant 0 : i32
    %dma_start3A_70 = tpu.memref_slice %arg5[%add3A_43, %dma_start3A_69] : memref<2560x1024xf32, #tpu.memory_space<hbm>> -> memref<40x1024xf32, #tpu.memory_space<hbm>>
    %dma_start3A_71 = arith.constant 0 : i32
    %dma_start3A_72 = tpu.memref_slice %arg5[%add3A_43, %dma_start3A_71] : memref<2560x1024xf32, #tpu.memory_space<hbm>> -> memref<40x1024xf32, #tpu.memory_space<hbm>>
    %dma_start3A_73 = arith.constant 0 : i32
    %dma_start3A_74 = arith.constant 0 : i32
    %dma_start3A_75 = tpu.memref_slice %arg9[%dma_start3A_64, %dma_start3A_73, %dma_start3A_74] : memref<2x40x1024xf32, #tpu.memory_space<vmem>> -> memref<1x40x1024xf32, #tpu.memory_space<vmem>>
    %dma_start3A_76 = tpu.memref_squeeze %dma_start3A_75 : memref<1x40x1024xf32, #tpu.memory_space<vmem>> -> memref<40x1024xf32, #tpu.memory_space<vmem>>
    tpu.enqueue_dma source(%dma_start3A_76 : memref<40x1024xf32, #tpu.memory_space<vmem>>) target(%dma_start3A_72 : memref<40x1024xf32, #tpu.memory_space<hbm>>) target_semaphore(%arg12 : memref<!tpu.dma_semaphore, #tpu.memory_space<semaphore_mem>>)
    %scan3A = arith.constant 0 : i32
    %scan3A_77 = arith.constant 15 : i32
    %scan3A_78 = arith.addi %scan3A, %scan3A_77 : i32
    %scan3A_79 = arith.constant 1 : i32
    scf.for %scan3A_111 = %scan3A to %scan3A_78 step %scan3A_79  : i32 {
      %mul3A_112 = arith.constant 2 : i32
      %mul3A_113 = arith.muli %scan3A_111, %mul3A_112 : i32
      %add3A_114 = arith.constant 0 : i32
      %add3A_115 = arith.addi %add3A_114, %mul3A_113 : i32
      %add3A_116 = arith.constant 0 : i32
      %add3A_117 = arith.addi %add3A_115, %add3A_116 : i32
      %mul3A_118 = arith.constant 40 : i32
      %mul3A_119 = arith.muli %add3A_117, %mul3A_118 : i32
      %multiple_of3A = tpu.assume_multiple %mul3A_119, 40 : i32
      %mul3A_120 = arith.constant 1200 : i32
      %mul3A_121 = arith.muli %add3A, %mul3A_120 : i32
      %mul3A_122 = arith.constant 40 : i32
      %mul3A_123 = arith.muli %add3A_117, %mul3A_122 : i32
      %add3A_124 = arith.addi %mul3A_121, %mul3A_123 : i32
      %multiple_of3A_125 = tpu.assume_multiple %add3A_124, 40 : i32
      %dma_wait3A_126 = arith.constant 0 : i32
      %dma_wait3A_127 = arith.constant 0 : i32
      %dma_wait3A_128 = arith.constant 0 : i32
      %dma_wait3A_129 = tpu.memref_slice %arg9[%dma_wait3A_126, %dma_wait3A_127, %dma_wait3A_128] : memref<2x40x1024xf32, #tpu.memory_space<vmem>> -> memref<1x40x1024xf32, #tpu.memory_space<vmem>>
      %dma_wait3A_130 = tpu.memref_squeeze %dma_wait3A_129 : memref<1x40x1024xf32, #tpu.memory_space<vmem>> -> memref<40x1024xf32, #tpu.memory_space<vmem>>
      %dma_wait3A_131 = arith.constant 0 : i32
      %dma_wait3A_132 = arith.constant 0 : i32
      %dma_wait3A_133 = tpu.memref_slice %arg6[%dma_wait3A_131, %dma_wait3A_132] : memref<38400x1024xf32, #tpu.memory_space<hbm>> -> memref<40x1024xf32, #tpu.memory_space<hbm>>
      %dma_wait3A_134 = arith.constant 0 : i32
      %dma_wait3A_135 = arith.constant 0 : i32
      %dma_wait3A_136 = tpu.memref_slice %arg6[%dma_wait3A_134, %dma_wait3A_135] : memref<38400x1024xf32, #tpu.memory_space<hbm>> -> memref<40x1024xf32, #tpu.memory_space<hbm>>
      %dma_wait3A_137 = arith.constant 0 : i32
      %dma_wait3A_138 = arith.constant 0 : i32
      %dma_wait3A_139 = tpu.memref_slice %arg9[%dma_wait3A_126, %dma_wait3A_137, %dma_wait3A_138] : memref<2x40x1024xf32, #tpu.memory_space<vmem>> -> memref<1x40x1024xf32, #tpu.memory_space<vmem>>
      %dma_wait3A_140 = tpu.memref_squeeze %dma_wait3A_139 : memref<1x40x1024xf32, #tpu.memory_space<vmem>> -> memref<40x1024xf32, #tpu.memory_space<vmem>>
      tpu.wait_dma2 semaphore(%arg11 : memref<!tpu.dma_semaphore, #tpu.memory_space<semaphore_mem>>) src(%dma_wait3A_140 : memref<40x1024xf32, #tpu.memory_space<vmem>>) dst(%dma_wait3A_136 : memref<40x1024xf32, #tpu.memory_space<hbm>>)
      %dma_start3A_141 = arith.constant 0 : i32
      %dma_start3A_142 = arith.constant 0 : i32
      %dma_start3A_143 = arith.constant 0 : i32
      %dma_start3A_144 = tpu.memref_slice %arg9[%dma_start3A_141, %dma_start3A_142, %dma_start3A_143] : memref<2x40x1024xf32, #tpu.memory_space<vmem>> -> memref<1x40x1024xf32, #tpu.memory_space<vmem>>
      %dma_start3A_145 = tpu.memref_squeeze %dma_start3A_144 : memref<1x40x1024xf32, #tpu.memory_space<vmem>> -> memref<40x1024xf32, #tpu.memory_space<vmem>>
      %dma_start3A_146 = tpu.memref_slice %arg8[%multiple_of3A] : memref<1200xi32, #tpu.memory_space<vmem>> -> memref<40xi32, #tpu.memory_space<vmem>>
      %dma_start3A_147 = arith.constant 0 : i32
      %dma_start3A_148 = arith.constant 0 : i32
      %dma_start3A_149 = tpu.memref_slice %arg2[%dma_start3A_147, %dma_start3A_148] : memref<8192x1024xf32, #tpu.memory_space<hbm>> -> memref<8192x1024xf32, #tpu.memory_space<hbm>>
      tpu.enqueue_indirect_dma source(%dma_start3A_149 : memref<8192x1024xf32, #tpu.memory_space<hbm>>) target(%dma_start3A_145 : memref<40x1024xf32, #tpu.memory_space<vmem>>) offsets(%dma_start3A_146 : memref<40xi32, #tpu.memory_space<vmem>>) semaphore(%arg10 : memref<!tpu.dma_semaphore, #tpu.memory_space<semaphore_mem>>)
      %dma_wait3A_150 = arith.constant 0 : i32
      %dma_wait3A_151 = arith.constant 0 : i32
      %dma_wait3A_152 = arith.constant 0 : i32
      %dma_wait3A_153 = tpu.memref_slice %arg9[%dma_wait3A_150, %dma_wait3A_151, %dma_wait3A_152] : memref<2x40x1024xf32, #tpu.memory_space<vmem>> -> memref<1x40x1024xf32, #tpu.memory_space<vmem>>
      %dma_wait3A_154 = tpu.memref_squeeze %dma_wait3A_153 : memref<1x40x1024xf32, #tpu.memory_space<vmem>> -> memref<40x1024xf32, #tpu.memory_space<vmem>>
      %dma_wait3A_155 = tpu.memref_slice %arg8[%multiple_of3A] : memref<1200xi32, #tpu.memory_space<vmem>> -> memref<40xi32, #tpu.memory_space<vmem>>
      %dma_wait3A_156 = arith.constant 0 : i32
      %dma_wait3A_157 = arith.constant 0 : i32
      %dma_wait3A_158 = tpu.memref_slice %arg2[%dma_wait3A_156, %dma_wait3A_157] : memref<8192x1024xf32, #tpu.memory_space<hbm>> -> memref<8192x1024xf32, #tpu.memory_space<hbm>>
      tpu.wait_indirect_dma semaphore(%arg10 : memref<!tpu.dma_semaphore, #tpu.memory_space<semaphore_mem>>) src(%dma_wait3A_158 : memref<8192x1024xf32, #tpu.memory_space<hbm>>) dst(%dma_wait3A_154 : memref<40x1024xf32, #tpu.memory_space<vmem>>)
      %dma_start3A_159 = arith.constant 0 : i32
      %dma_start3A_160 = arith.constant 0 : i32
      %dma_start3A_161 = arith.constant 0 : i32
      %dma_start3A_162 = tpu.memref_slice %arg9[%dma_start3A_159, %dma_start3A_160, %dma_start3A_161] : memref<2x40x1024xf32, #tpu.memory_space<vmem>> -> memref<1x40x1024xf32, #tpu.memory_space<vmem>>
      %dma_start3A_163 = tpu.memref_squeeze %dma_start3A_162 : memref<1x40x1024xf32, #tpu.memory_space<vmem>> -> memref<40x1024xf32, #tpu.memory_space<vmem>>
      %dma_start3A_164 = arith.constant 0 : i32
      %dma_start3A_165 = tpu.memref_slice %arg6[%multiple_of3A_125, %dma_start3A_164] : memref<38400x1024xf32, #tpu.memory_space<hbm>> -> memref<40x1024xf32, #tpu.memory_space<hbm>>
      %dma_start3A_166 = arith.constant 0 : i32
      %dma_start3A_167 = tpu.memref_slice %arg6[%multiple_of3A_125, %dma_start3A_166] : memref<38400x1024xf32, #tpu.memory_space<hbm>> -> memref<40x1024xf32, #tpu.memory_space<hbm>>
      %dma_start3A_168 = arith.constant 0 : i32
      %dma_start3A_169 = arith.constant 0 : i32
      %dma_start3A_170 = tpu.memref_slice %arg9[%dma_start3A_159, %dma_start3A_168, %dma_start3A_169] : memref<2x40x1024xf32, #tpu.memory_space<vmem>> -> memref<1x40x1024xf32, #tpu.memory_space<vmem>>
      %dma_start3A_171 = tpu.memref_squeeze %dma_start3A_170 : memref<1x40x1024xf32, #tpu.memory_space<vmem>> -> memref<40x1024xf32, #tpu.memory_space<vmem>>
      tpu.enqueue_dma source(%dma_start3A_171 : memref<40x1024xf32, #tpu.memory_space<vmem>>) target(%dma_start3A_167 : memref<40x1024xf32, #tpu.memory_space<hbm>>) target_semaphore(%arg11 : memref<!tpu.dma_semaphore, #tpu.memory_space<semaphore_mem>>)
      %add3A_172 = arith.constant 1 : i32
      %add3A_173 = arith.addi %add3A_115, %add3A_172 : i32
      %mul3A_174 = arith.constant 40 : i32
      %mul3A_175 = arith.muli %add3A_173, %mul3A_174 : i32
      %multiple_of3A_176 = tpu.assume_multiple %mul3A_175, 40 : i32
      %mul3A_177 = arith.constant 1200 : i32
      %mul3A_178 = arith.muli %add3A, %mul3A_177 : i32
      %mul3A_179 = arith.constant 40 : i32
      %mul3A_180 = arith.muli %add3A_173, %mul3A_179 : i32
      %add3A_181 = arith.addi %mul3A_178, %mul3A_180 : i32
      %multiple_of3A_182 = tpu.assume_multiple %add3A_181, 40 : i32
      %dma_wait3A_183 = arith.constant 1 : i32
      %dma_wait3A_184 = arith.constant 0 : i32
      %dma_wait3A_185 = arith.constant 0 : i32
      %dma_wait3A_186 = tpu.memref_slice %arg9[%dma_wait3A_183, %dma_wait3A_184, %dma_wait3A_185] : memref<2x40x1024xf32, #tpu.memory_space<vmem>> -> memref<1x40x1024xf32, #tpu.memory_space<vmem>>
      %dma_wait3A_187 = tpu.memref_squeeze %dma_wait3A_186 : memref<1x40x1024xf32, #tpu.memory_space<vmem>> -> memref<40x1024xf32, #tpu.memory_space<vmem>>
      %dma_wait3A_188 = arith.constant 0 : i32
      %dma_wait3A_189 = arith.constant 0 : i32
      %dma_wait3A_190 = tpu.memref_slice %arg6[%dma_wait3A_188, %dma_wait3A_189] : memref<38400x1024xf32, #tpu.memory_space<hbm>> -> memref<40x1024xf32, #tpu.memory_space<hbm>>
      %dma_wait3A_191 = arith.constant 0 : i32
      %dma_wait3A_192 = arith.constant 0 : i32
      %dma_wait3A_193 = tpu.memref_slice %arg6[%dma_wait3A_191, %dma_wait3A_192] : memref<38400x1024xf32, #tpu.memory_space<hbm>> -> memref<40x1024xf32, #tpu.memory_space<hbm>>
      %dma_wait3A_194 = arith.constant 0 : i32
      %dma_wait3A_195 = arith.constant 0 : i32
      %dma_wait3A_196 = tpu.memref_slice %arg9[%dma_wait3A_183, %dma_wait3A_194, %dma_wait3A_195] : memref<2x40x1024xf32, #tpu.memory_space<vmem>> -> memref<1x40x1024xf32, #tpu.memory_space<vmem>>
      %dma_wait3A_197 = tpu.memref_squeeze %dma_wait3A_196 : memref<1x40x1024xf32, #tpu.memory_space<vmem>> -> memref<40x1024xf32, #tpu.memory_space<vmem>>
      tpu.wait_dma2 semaphore(%arg12 : memref<!tpu.dma_semaphore, #tpu.memory_space<semaphore_mem>>) src(%dma_wait3A_197 : memref<40x1024xf32, #tpu.memory_space<vmem>>) dst(%dma_wait3A_193 : memref<40x1024xf32, #tpu.memory_space<hbm>>)
      %dma_start3A_198 = arith.constant 1 : i32
      %dma_start3A_199 = arith.constant 0 : i32
      %dma_start3A_200 = arith.constant 0 : i32
      %dma_start3A_201 = tpu.memref_slice %arg9[%dma_start3A_198, %dma_start3A_199, %dma_start3A_200] : memref<2x40x1024xf32, #tpu.memory_space<vmem>> -> memref<1x40x1024xf32, #tpu.memory_space<vmem>>
      %dma_start3A_202 = tpu.memref_squeeze %dma_start3A_201 : memref<1x40x1024xf32, #tpu.memory_space<vmem>> -> memref<40x1024xf32, #tpu.memory_space<vmem>>
      %dma_start3A_203 = tpu.memref_slice %arg8[%multiple_of3A_176] : memref<1200xi32, #tpu.memory_space<vmem>> -> memref<40xi32, #tpu.memory_space<vmem>>
      %dma_start3A_204 = arith.constant 0 : i32
      %dma_start3A_205 = arith.constant 0 : i32
      %dma_start3A_206 = tpu.memref_slice %arg2[%dma_start3A_204, %dma_start3A_205] : memref<8192x1024xf32, #tpu.memory_space<hbm>> -> memref<8192x1024xf32, #tpu.memory_space<hbm>>
      tpu.enqueue_indirect_dma source(%dma_start3A_206 : memref<8192x1024xf32, #tpu.memory_space<hbm>>) target(%dma_start3A_202 : memref<40x1024xf32, #tpu.memory_space<vmem>>) offsets(%dma_start3A_203 : memref<40xi32, #tpu.memory_space<vmem>>) semaphore(%arg10 : memref<!tpu.dma_semaphore, #tpu.memory_space<semaphore_mem>>)
      %dma_wait3A_207 = arith.constant 1 : i32
      %dma_wait3A_208 = arith.constant 0 : i32
      %dma_wait3A_209 = arith.constant 0 : i32
      %dma_wait3A_210 = tpu.memref_slice %arg9[%dma_wait3A_207, %dma_wait3A_208, %dma_wait3A_209] : memref<2x40x1024xf32, #tpu.memory_space<vmem>> -> memref<1x40x1024xf32, #tpu.memory_space<vmem>>
      %dma_wait3A_211 = tpu.memref_squeeze %dma_wait3A_210 : memref<1x40x1024xf32, #tpu.memory_space<vmem>> -> memref<40x1024xf32, #tpu.memory_space<vmem>>
      %dma_wait3A_212 = tpu.memref_slice %arg8[%multiple_of3A_176] : memref<1200xi32, #tpu.memory_space<vmem>> -> memref<40xi32, #tpu.memory_space<vmem>>
      %dma_wait3A_213 = arith.constant 0 : i32
      %dma_wait3A_214 = arith.constant 0 : i32
      %dma_wait3A_215 = tpu.memref_slice %arg2[%dma_wait3A_213, %dma_wait3A_214] : memref<8192x1024xf32, #tpu.memory_space<hbm>> -> memref<8192x1024xf32, #tpu.memory_space<hbm>>
      tpu.wait_indirect_dma semaphore(%arg10 : memref<!tpu.dma_semaphore, #tpu.memory_space<semaphore_mem>>) src(%dma_wait3A_215 : memref<8192x1024xf32, #tpu.memory_space<hbm>>) dst(%dma_wait3A_211 : memref<40x1024xf32, #tpu.memory_space<vmem>>)
      %dma_start3A_216 = arith.constant 1 : i32
      %dma_start3A_217 = arith.constant 0 : i32
      %dma_start3A_218 = arith.constant 0 : i32
      %dma_start3A_219 = tpu.memref_slice %arg9[%dma_start3A_216, %dma_start3A_217, %dma_start3A_218] : memref<2x40x1024xf32, #tpu.memory_space<vmem>> -> memref<1x40x1024xf32, #tpu.memory_space<vmem>>
      %dma_start3A_220 = tpu.memref_squeeze %dma_start3A_219 : memref<1x40x1024xf32, #tpu.memory_space<vmem>> -> memref<40x1024xf32, #tpu.memory_space<vmem>>
      %dma_start3A_221 = arith.constant 0 : i32
      %dma_start3A_222 = tpu.memref_slice %arg6[%multiple_of3A_182, %dma_start3A_221] : memref<38400x1024xf32, #tpu.memory_space<hbm>> -> memref<40x1024xf32, #tpu.memory_space<hbm>>
      %dma_start3A_223 = arith.constant 0 : i32
      %dma_start3A_224 = tpu.memref_slice %arg6[%multiple_of3A_182, %dma_start3A_223] : memref<38400x1024xf32, #tpu.memory_space<hbm>> -> memref<40x1024xf32, #tpu.memory_space<hbm>>
      %dma_start3A_225 = arith.constant 0 : i32
      %dma_start3A_226 = arith.constant 0 : i32
      %dma_start3A_227 = tpu.memref_slice %arg9[%dma_start3A_216, %dma_start3A_225, %dma_start3A_226] : memref<2x40x1024xf32, #tpu.memory_space<vmem>> -> memref<1x40x1024xf32, #tpu.memory_space<vmem>>
      %dma_start3A_228 = tpu.memref_squeeze %dma_start3A_227 : memref<1x40x1024xf32, #tpu.memory_space<vmem>> -> memref<40x1024xf32, #tpu.memory_space<vmem>>
      tpu.enqueue_dma source(%dma_start3A_228 : memref<40x1024xf32, #tpu.memory_space<vmem>>) target(%dma_start3A_224 : memref<40x1024xf32, #tpu.memory_space<hbm>>) target_semaphore(%arg12 : memref<!tpu.dma_semaphore, #tpu.memory_space<semaphore_mem>>)
    }
    %scan3A_80 = arith.constant 15 : i32
    %dma_wait3A_81 = arith.constant 0 : i32
    %dma_wait3A_82 = arith.constant 0 : i32
    %dma_wait3A_83 = arith.constant 0 : i32
    %dma_wait3A_84 = tpu.memref_slice %arg9[%dma_wait3A_81, %dma_wait3A_82, %dma_wait3A_83] : memref<2x40x1024xf32, #tpu.memory_space<vmem>> -> memref<1x40x1024xf32, #tpu.memory_space<vmem>>
    %dma_wait3A_85 = tpu.memref_squeeze %dma_wait3A_84 : memref<1x40x1024xf32, #tpu.memory_space<vmem>> -> memref<40x1024xf32, #tpu.memory_space<vmem>>
    %dma_wait3A_86 = arith.constant 0 : i32
    %dma_wait3A_87 = arith.constant 0 : i32
    %dma_wait3A_88 = tpu.memref_slice %arg6[%dma_wait3A_86, %dma_wait3A_87] : memref<38400x1024xf32, #tpu.memory_space<hbm>> -> memref<40x1024xf32, #tpu.memory_space<hbm>>
    %dma_wait3A_89 = arith.constant 0 : i32
    %dma_wait3A_90 = arith.constant 0 : i32
    %dma_wait3A_91 = tpu.memref_slice %arg6[%dma_wait3A_89, %dma_wait3A_90] : memref<38400x1024xf32, #tpu.memory_space<hbm>> -> memref<40x1024xf32, #tpu.memory_space<hbm>>
    %dma_wait3A_92 = arith.constant 0 : i32
    %dma_wait3A_93 = arith.constant 0 : i32
    %dma_wait3A_94 = tpu.memref_slice %arg9[%dma_wait3A_81, %dma_wait3A_92, %dma_wait3A_93] : memref<2x40x1024xf32, #tpu.memory_space<vmem>> -> memref<1x40x1024xf32, #tpu.memory_space<vmem>>
    %dma_wait3A_95 = tpu.memref_squeeze %dma_wait3A_94 : memref<1x40x1024xf32, #tpu.memory_space<vmem>> -> memref<40x1024xf32, #tpu.memory_space<vmem>>
    tpu.wait_dma2 semaphore(%arg11 : memref<!tpu.dma_semaphore, #tpu.memory_space<semaphore_mem>>) src(%dma_wait3A_95 : memref<40x1024xf32, #tpu.memory_space<vmem>>) dst(%dma_wait3A_91 : memref<40x1024xf32, #tpu.memory_space<hbm>>)
    %dma_wait3A_96 = arith.constant 1 : i32
    %dma_wait3A_97 = arith.constant 0 : i32
    %dma_wait3A_98 = arith.constant 0 : i32
    %dma_wait3A_99 = tpu.memref_slice %arg9[%dma_wait3A_96, %dma_wait3A_97, %dma_wait3A_98] : memref<2x40x1024xf32, #tpu.memory_space<vmem>> -> memref<1x40x1024xf32, #tpu.memory_space<vmem>>
    %dma_wait3A_100 = tpu.memref_squeeze %dma_wait3A_99 : memref<1x40x1024xf32, #tpu.memory_space<vmem>> -> memref<40x1024xf32, #tpu.memory_space<vmem>>
    %dma_wait3A_101 = arith.constant 0 : i32
    %dma_wait3A_102 = arith.constant 0 : i32
    %dma_wait3A_103 = tpu.memref_slice %arg6[%dma_wait3A_101, %dma_wait3A_102] : memref<38400x1024xf32, #tpu.memory_space<hbm>> -> memref<40x1024xf32, #tpu.memory_space<hbm>>
    %dma_wait3A_104 = arith.constant 0 : i32
    %dma_wait3A_105 = arith.constant 0 : i32
    %dma_wait3A_106 = tpu.memref_slice %arg6[%dma_wait3A_104, %dma_wait3A_105] : memref<38400x1024xf32, #tpu.memory_space<hbm>> -> memref<40x1024xf32, #tpu.memory_space<hbm>>
    %dma_wait3A_107 = arith.constant 0 : i32
    %dma_wait3A_108 = arith.constant 0 : i32
    %dma_wait3A_109 = tpu.memref_slice %arg9[%dma_wait3A_96, %dma_wait3A_107, %dma_wait3A_108] : memref<2x40x1024xf32, #tpu.memory_space<vmem>> -> memref<1x40x1024xf32, #tpu.memory_space<vmem>>
    %dma_wait3A_110 = tpu.memref_squeeze %dma_wait3A_109 : memref<1x40x1024xf32, #tpu.memory_space<vmem>> -> memref<40x1024xf32, #tpu.memory_space<vmem>>
    tpu.wait_dma2 semaphore(%arg12 : memref<!tpu.dma_semaphore, #tpu.memory_space<semaphore_mem>>) src(%dma_wait3A_110 : memref<40x1024xf32, #tpu.memory_space<vmem>>) dst(%dma_wait3A_106 : memref<40x1024xf32, #tpu.memory_space<hbm>>)
    return
  }
}

module attributes {stable_mosaic.version = 14 : i64} {
  func.func @_tc_gather_body(%arg0: i32, %arg1: memref<1x1x32xi32, #tpu.memory_space<smem>>, %arg2: memref<1x1x480xi32, #tpu.memory_space<smem>>, %arg3: memref<1x512x1024xf32, #tpu.memory_space<vmem>>, %arg4: memref<1x32x1024xf32, #tpu.memory_space<vmem>>, %arg5: memref<1x480x1024xf32, #tpu.memory_space<vmem>>) attributes {dimension_semantics = [#tpu.dimension_semantics<arbitrary>], iteration_bounds = array<i64: 16>, scalar_prefetch = 0 : i64, scratch_operands = 0 : i64, tpu.core_type = #tpu.core_type<tc>, window_params = [{transform_indices = @transform_0, window_bounds = array<i64: 1, 1, 32>}, {transform_indices = @transform_1, window_bounds = array<i64: 1, 1, 480>}, {transform_indices = @transform_2, window_bounds = array<i64: 1, 512, 1024>}, {transform_indices = @transform_3, window_bounds = array<i64: 1, 32, 1024>}, {transform_indices = @transform_4, window_bounds = array<i64: 1, 480, 1024>}]} {
    %mul3A = arith.constant 512 : i32
    %mul3A_0 = arith.muli %arg0, %mul3A : i32
    %scan3A = arith.constant 0 : i32
    %scan3A_1 = arith.constant 32 : i32
    %scan3A_2 = arith.addi %scan3A, %scan3A_1 : i32
    %scan3A_3 = arith.constant 1 : i32
    scf.for %scan3A_10 = %scan3A to %scan3A_2 step %scan3A_3  : i32 {
      %get3A = arith.constant 0 : index
      %get3A_11 = arith.constant 0 : index
      %get3A_12 = arith.index_cast %scan3A_10 : i32 to index
      %get3A_13 = memref.load %arg1[%get3A, %get3A_11, %get3A_12] : memref<1x1x32xi32, #tpu.memory_space<smem>>
      %sub3A = arith.subi %get3A_13, %mul3A_0 : i32
      %get3A_14 = arith.constant 0 : index
      %get3A_15 = arith.index_cast %sub3A : i32 to index
      %get3A_16 = arith.constant 0 : index
      %get3A_17 = vector.load %arg3[%get3A_14, %get3A_15, %get3A_16] : memref<1x512x1024xf32, #tpu.memory_space<vmem>>, vector<1x1x1024xf32>
      %get3A_18 = vector.shape_cast %get3A_17 : vector<1x1x1024xf32> to vector<1x1024xf32>
      %swap3A = arith.constant 0 : index
      %swap3A_19 = arith.index_cast %scan3A_10 : i32 to index
      %swap3A_20 = arith.constant 0 : index
      %swap3A_21 = vector.load %arg4[%swap3A, %swap3A_19, %swap3A_20] : memref<1x32x1024xf32, #tpu.memory_space<vmem>>, vector<1x1x1024xf32>
      %swap3A_22 = vector.shape_cast %swap3A_21 : vector<1x1x1024xf32> to vector<1x1024xf32>
      %swap3A_23 = vector.shape_cast %get3A_18 : vector<1x1024xf32> to vector<1x1x1024xf32>
      tpu.vector_store %arg4[%swap3A, %swap3A_19, %swap3A_20], %swap3A_23 {strides = array<i32>} : memref<1x32x1024xf32, #tpu.memory_space<vmem>>, vector<1x1x1024xf32>,
    }
    %scan3A_4 = arith.constant 32 : i32
    %scan3A_5 = arith.constant 0 : i32
    %scan3A_6 = arith.constant 480 : i32
    %scan3A_7 = arith.addi %scan3A_5, %scan3A_6 : i32
    %scan3A_8 = arith.constant 1 : i32
    scf.for %scan3A_10 = %scan3A_5 to %scan3A_7 step %scan3A_8  : i32 {
      %get3A = arith.constant 0 : index
      %get3A_11 = arith.constant 0 : index
      %get3A_12 = arith.index_cast %scan3A_10 : i32 to index
      %get3A_13 = memref.load %arg2[%get3A, %get3A_11, %get3A_12] : memref<1x1x480xi32, #tpu.memory_space<smem>>
      %sub3A = arith.subi %get3A_13, %mul3A_0 : i32
      %get3A_14 = arith.constant 0 : index
      %get3A_15 = arith.index_cast %sub3A : i32 to index
      %get3A_16 = arith.constant 0 : index
      %get3A_17 = vector.load %arg3[%get3A_14, %get3A_15, %get3A_16] : memref<1x512x1024xf32, #tpu.memory_space<vmem>>, vector<1x1x1024xf32>
      %get3A_18 = vector.shape_cast %get3A_17 : vector<1x1x1024xf32> to vector<1x1024xf32>
      %swap3A = arith.constant 0 : index
      %swap3A_19 = arith.index_cast %scan3A_10 : i32 to index
      %swap3A_20 = arith.constant 0 : index
      %swap3A_21 = vector.load %arg5[%swap3A, %swap3A_19, %swap3A_20] : memref<1x480x1024xf32, #tpu.memory_space<vmem>>, vector<1x1x1024xf32>
      %swap3A_22 = vector.shape_cast %swap3A_21 : vector<1x1x1024xf32> to vector<1x1024xf32>
      %swap3A_23 = vector.shape_cast %get3A_18 : vector<1x1024xf32> to vector<1x1x1024xf32>
      tpu.vector_store %arg5[%swap3A, %swap3A_19, %swap3A_20], %swap3A_23 {strides = array<i32>} : memref<1x480x1024xf32, #tpu.memory_space<vmem>>, vector<1x1x1024xf32>,
    }
    %scan3A_9 = arith.constant 480 : i32
    return
  }
  func.func @transform_0(%arg0: i32) -> (i32, i32, i32) {
    %c0_i32 = arith.constant 0 : i32
    %c0_i32_0 = arith.constant 0 : i32
    %c0_i32_1 = arith.constant 0 : i32
    return %arg0, %c0_i32, %c0_i32_0 : i32, i32, i32
  }
  func.func @transform_1(%arg0: i32) -> (i32, i32, i32) {
    %c0_i32 = arith.constant 0 : i32
    %c0_i32_0 = arith.constant 0 : i32
    %c0_i32_1 = arith.constant 0 : i32
    return %arg0, %c0_i32, %c0_i32_0 : i32, i32, i32
  }
  func.func @transform_2(%arg0: i32) -> (i32, i32, i32) {
    %c0_i32 = arith.constant 0 : i32
    %c0_i32_0 = arith.constant 0 : i32
    %c0_i32_1 = arith.constant 0 : i32
    return %arg0, %c0_i32, %c0_i32_0 : i32, i32, i32
  }
  func.func @transform_3(%arg0: i32) -> (i32, i32, i32) {
    %c0_i32 = arith.constant 0 : i32
    %c0_i32_0 = arith.constant 0 : i32
    %c0_i32_1 = arith.constant 0 : i32
    return %arg0, %c0_i32, %c0_i32_0 : i32, i32, i32
  }
  func.func @transform_4(%arg0: i32) -> (i32, i32, i32) {
    %c0_i32 = arith.constant 0 : i32
    %c0_i32_0 = arith.constant 0 : i32
    %c0_i32_1 = arith.constant 0 : i32
    return %arg0, %c0_i32, %c0_i32_0 : i32, i32, i32
  }
}

module attributes {stable_mosaic.version = 14 : i64} {
  func.func @_proj_index_body(%arg0: i32, %arg1: memref<1x512x1024xf32, #tpu.memory_space<vmem>>, %arg2: memref<1024x1024xf32, #tpu.memory_space<vmem>>, %arg3: memref<1024xf32, #tpu.memory_space<vmem>>, %arg4: memref<1024x1024xf32, #tpu.memory_space<vmem>>, %arg5: memref<1024xf32, #tpu.memory_space<vmem>>, %arg6: memref<1x1024xf32, #tpu.memory_space<vmem>>, %arg7: memref<1x1xf32, #tpu.memory_space<vmem>>, %arg8: memref<1x512x1024xf32, #tpu.memory_space<vmem>>, %arg9: memref<1x512x1024xf32, #tpu.memory_space<vmem>>, %arg10: memref<1x16x512xf32, #tpu.memory_space<vmem>>, %arg11: memref<16x32xi32, #tpu.memory_space<vmem>>, %arg12: memref<16x2x160xi32, #tpu.memory_space<vmem>>, %arg13: memref<16x2x2400xi32, #tpu.memory_space<vmem>>, %arg14: memref<16x32xi32, #tpu.memory_space<vmem>>, %arg15: memref<16x160xi32, #tpu.memory_space<vmem>>, %arg16: memref<16x480xi32, #tpu.memory_space<vmem>>, %arg17: memref<16x2400xi32, #tpu.memory_space<vmem>>, %arg18: memref<16x512xf32, #tpu.memory_space<vmem>>) attributes {dimension_semantics = [#tpu.dimension_semantics<arbitrary>], iteration_bounds = array<i64: 16>, scalar_prefetch = 0 : i64, scratch_operands = 1 : i64, tpu.core_type = #tpu.core_type<tc>, window_params = [{transform_indices = @transform_0, window_bounds = array<i64: 1, 512, 1024>}, {pipeline_mode = #tpu.pipeline_mode<synchronous>, transform_indices = @transform_1, window_bounds = array<i64: 1024, 1024>}, {pipeline_mode = #tpu.pipeline_mode<synchronous>, transform_indices = @transform_2, window_bounds = array<i64: 1024>}, {pipeline_mode = #tpu.pipeline_mode<synchronous>, transform_indices = @transform_3, window_bounds = array<i64: 1024, 1024>}, {pipeline_mode = #tpu.pipeline_mode<synchronous>, transform_indices = @transform_4, window_bounds = array<i64: 1024>}, {pipeline_mode = #tpu.pipeline_mode<synchronous>, transform_indices = @transform_5, window_bounds = array<i64: 1, 1024>}, {pipeline_mode = #tpu.pipeline_mode<synchronous>, transform_indices = @transform_6, window_bounds = array<i64: 1, 1>}, {transform_indices = @transform_7, window_bounds = array<i64: 1, 512, 1024>}, {transform_indices = @transform_8, window_bounds = array<i64: 1, 512, 1024>}, {pipeline_mode = #tpu.pipeline_mode<synchronous>, transform_indices = @transform_9, window_bounds = array<i64: 1, 16, 512>}, {pipeline_mode = #tpu.pipeline_mode<synchronous>, transform_indices = @transform_10, window_bounds = array<i64: 16, 32>}, {pipeline_mode = #tpu.pipeline_mode<synchronous>, transform_indices = @transform_11, window_bounds = array<i64: 16, 2, 160>}, {pipeline_mode = #tpu.pipeline_mode<synchronous>, transform_indices = @transform_12, window_bounds = array<i64: 16, 2, 2400>}, {pipeline_mode = #tpu.pipeline_mode<synchronous>, transform_indices = @transform_13, window_bounds = array<i64: 16, 32>}, {pipeline_mode = #tpu.pipeline_mode<synchronous>, transform_indices = @transform_14, window_bounds = array<i64: 16, 160>}, {pipeline_mode = #tpu.pipeline_mode<synchronous>, transform_indices = @transform_15, window_bounds = array<i64: 16, 480>}, {pipeline_mode = #tpu.pipeline_mode<synchronous>, transform_indices = @transform_16, window_bounds = array<i64: 16, 2400>}]} {
    %get3A = arith.constant 0 : index
    %get3A_0 = arith.constant 0 : index
    %get3A_1 = arith.constant 0 : index
    %get3A_2 = vector.load %arg1[%get3A, %get3A_0, %get3A_1] : memref<1x512x1024xf32, #tpu.memory_space<vmem>>, vector<1x512x1024xf32>
    %get3A_3 = vector.shape_cast %get3A_2 : vector<1x512x1024xf32> to vector<512x1024xf32>
    %get3A_4 = arith.constant 0 : index
    %get3A_5 = arith.constant 0 : index
    %get3A_6 = vector.load %arg2[%get3A_4, %get3A_5] : memref<1024x1024xf32, #tpu.memory_space<vmem>>, vector<1024x1024xf32>
    %dot_general3A = arith.constant dense<0.000000e+00> : vector<512x1024xf32>
    %dot_general3A_7 = tpu.matmul %get3A_3, %get3A_6, %dot_general3A {dimension_numbers = #tpu.dot_dimension_numbers<[1], [1], [0], [0], [0, 0, 1, 0], [], []>, transpose_lhs_hint = false} : vector<512x1024xf32>, vector<1024x1024xf32>, vector<512x1024xf32> -> vector<512x1024xf32>
    %get3A_8 = arith.constant 0 : index
    %get3A_9 = vector.load %arg3[%get3A_8] : memref<1024xf32, #tpu.memory_space<vmem>>, vector<1024xf32>
    %broadcast_in_dim3A = vector.shape_cast %get3A_9 : vector<1024xf32> to vector<1x1024xf32>
    %add3A = vector.broadcast %broadcast_in_dim3A : vector<1x1024xf32> to vector<512x1024xf32>
    %add3A_10 = arith.addf %dot_general3A_7, %add3A : vector<512x1024xf32>
    %get3A_11 = arith.constant 0 : index
    %get3A_12 = arith.constant 0 : index
    %get3A_13 = vector.load %arg4[%get3A_11, %get3A_12] : memref<1024x1024xf32, #tpu.memory_space<vmem>>, vector<1024x1024xf32>
    %dot_general3A_14 = arith.constant dense<0.000000e+00> : vector<512x1024xf32>
    %dot_general3A_15 = tpu.matmul %get3A_3, %get3A_13, %dot_general3A_14 {dimension_numbers = #tpu.dot_dimension_numbers<[1], [1], [0], [0], [0, 0, 1, 0], [], []>, transpose_lhs_hint = false} : vector<512x1024xf32>, vector<1024x1024xf32>, vector<512x1024xf32> -> vector<512x1024xf32>
    %get3A_16 = arith.constant 0 : index
    %get3A_17 = vector.load %arg5[%get3A_16] : memref<1024xf32, #tpu.memory_space<vmem>>, vector<1024xf32>
    %broadcast_in_dim3A_18 = vector.shape_cast %get3A_17 : vector<1024xf32> to vector<1x1024xf32>
    %add3A_19 = vector.broadcast %broadcast_in_dim3A_18 : vector<1x1024xf32> to vector<512x1024xf32>
    %add3A_20 = arith.addf %dot_general3A_15, %add3A_19 : vector<512x1024xf32>
    %swap3A = arith.constant 0 : index
    %swap3A_21 = arith.constant 0 : index
    %swap3A_22 = arith.constant 0 : index
    %swap3A_23 = vector.load %arg8[%swap3A, %swap3A_21, %swap3A_22] : memref<1x512x1024xf32, #tpu.memory_space<vmem>>, vector<1x512x1024xf32>
    %swap3A_24 = vector.shape_cast %swap3A_23 : vector<1x512x1024xf32> to vector<512x1024xf32>
    %swap3A_25 = vector.shape_cast %add3A_10 : vector<512x1024xf32> to vector<1x512x1024xf32>
    tpu.vector_store %arg8[%swap3A, %swap3A_21, %swap3A_22], %swap3A_25 {strides = array<i32>} : memref<1x512x1024xf32, #tpu.memory_space<vmem>>, vector<1x512x1024xf32>,
    %swap3A_26 = arith.constant 0 : index
    %swap3A_27 = arith.constant 0 : index
    %swap3A_28 = arith.constant 0 : index
    %swap3A_29 = vector.load %arg9[%swap3A_26, %swap3A_27, %swap3A_28] : memref<1x512x1024xf32, #tpu.memory_space<vmem>>, vector<1x512x1024xf32>
    %swap3A_30 = vector.shape_cast %swap3A_29 : vector<1x512x1024xf32> to vector<512x1024xf32>
    %swap3A_31 = vector.shape_cast %add3A_20 : vector<512x1024xf32> to vector<1x512x1024xf32>
    tpu.vector_store %arg9[%swap3A_26, %swap3A_27, %swap3A_28], %swap3A_31 {strides = array<i32>} : memref<1x512x1024xf32, #tpu.memory_space<vmem>>, vector<1x512x1024xf32>,
    %get3A_32 = arith.constant 0 : index
    %get3A_33 = arith.constant 0 : index
    %get3A_34 = vector.load %arg6[%get3A_32, %get3A_33] : memref<1x1024xf32, #tpu.memory_space<vmem>>, vector<1x1024xf32>
    %dot_general3A_35 = arith.constant dense<0.000000e+00> : vector<1x512xf32>
    %dot_general3A_36 = tpu.matmul %get3A_34, %add3A_10, %dot_general3A_35 {dimension_numbers = #tpu.dot_dimension_numbers<[1], [1], [0], [0], [0, 0, 1, 0], [], []>, transpose_lhs_hint = false} : vector<1x1024xf32>, vector<512x1024xf32>, vector<1x512xf32> -> vector<1x512xf32>
    %get3A_37 = arith.constant 0 : index
    %get3A_38 = arith.constant 0 : index
    %get3A_39 = vector.load %arg7[%get3A_37, %get3A_38] : memref<1x1xf32, #tpu.memory_space<vmem>>, vector<1x1xf32>
    %get3A_40 = vector.extract %get3A_39[0, 0] : f32 from vector<1x1xf32>
    %add3A_41 = vector.broadcast %get3A_40 : f32 to vector<1x512xf32>
    %add3A_42 = arith.addf %dot_general3A_36, %add3A_41 : vector<1x512xf32>
    %swap3A_43 = arith.index_cast %arg0 : i32 to index
    %swap3A_44 = arith.constant 0 : index
    %swap3A_45 = vector.load %arg18[%swap3A_43, %swap3A_44] : memref<16x512xf32, #tpu.memory_space<vmem>>, vector<1x512xf32>
    tpu.vector_store %arg18[%swap3A_43, %swap3A_44], %add3A_42 {strides = array<i32>} : memref<16x512xf32, #tpu.memory_space<vmem>>, vector<1x512xf32>,
    %eq3A = arith.constant 15 : i32
    %eq3A_46 = arith.cmpi eq, %arg0, %eq3A : i32
    %convert_element_type3A = arith.extui %eq3A_46 : i1 to i32
    %cond3A = arith.constant 0 : i32
    %cond3A_47 = arith.cmpi ne, %convert_element_type3A, %cond3A : i32
    scf.if %cond3A_47 {
      %get3A_48 = arith.constant 0 : index
      %get3A_49 = arith.constant 0 : index
      %get3A_50 = vector.load %arg18[%get3A_48, %get3A_49] : memref<16x512xf32, #tpu.memory_space<vmem>>, vector<16x512xf32>
      %swap3A_51 = arith.constant 0 : index
      %swap3A_52 = arith.constant 0 : index
      %swap3A_53 = arith.constant 0 : index
      %swap3A_54 = vector.load %arg10[%swap3A_51, %swap3A_52, %swap3A_53] : memref<1x16x512xf32, #tpu.memory_space<vmem>>, vector<1x16x512xf32>
      %swap3A_55 = vector.shape_cast %swap3A_54 : vector<1x16x512xf32> to vector<16x512xf32>
      %swap3A_56 = vector.shape_cast %get3A_50 : vector<16x512xf32> to vector<1x16x512xf32>
      tpu.vector_store %arg10[%swap3A_51, %swap3A_52, %swap3A_53], %swap3A_56 {strides = array<i32>} : memref<1x16x512xf32, #tpu.memory_space<vmem>>, vector<1x16x512xf32>,
      %get3A_57 = arith.constant 0 : index
      %get3A_58 = arith.constant 0 : index
      %get3A_59 = vector.load %arg18[%get3A_57, %get3A_58] : memref<16x512xf32, #tpu.memory_space<vmem>>, vector<16x512xf32>
      %iota3A = tpu.iota {dimensions = array<i32: 1>} : vector<16x512xi32>
      %iota3A_60 = tpu.iota {dimensions = array<i32: 1>} : vector<16x32xi32>
      %broadcast_in_dim3A_61 = arith.constant 0 : i32
      %broadcast_in_dim3A_62 = vector.broadcast %broadcast_in_dim3A_61 : i32 to vector<16x32xi32>
      %scan3A = arith.constant 0 : i32
      %scan3A_63 = arith.constant 32 : i32
      %scan3A_64 = arith.addi %scan3A, %scan3A_63 : i32
      %scan3A_65 = arith.constant 1 : i32
      %scan3A_66:2 = scf.for %scan3A_365 = %scan3A to %scan3A_64 step %scan3A_65 iter_args(%scan3A_366 = %get3A_59, %scan3A_367 = %broadcast_in_dim3A_62) -> (vector<16x512xf32>, vector<16x32xi32>)  : i32 {
        %reduce_max3A = arith.constant dense<0xFF800000> : vector<16xf32>
        %reduce_max3A_368 = vector.multi_reduction <maximumf>, %scan3A_366, %reduce_max3A [1] : vector<16x512xf32> to vector<16xf32>
        %broadcast_in_dim3A_369 = vector.shape_cast %reduce_max3A_368 : vector<16xf32> to vector<16x1xf32>
        %eq3A_370 = vector.broadcast %broadcast_in_dim3A_369 : vector<16x1xf32> to vector<16x512xf32>
        %eq3A_371 = arith.cmpf oeq, %scan3A_366, %eq3A_370 : vector<16x512xf32>
        %jit3A_372 = arith.constant 1073741824 : i32
        %broadcast_in_dim3A_373 = vector.broadcast %jit3A_372 : i32 to vector<16x512xi32>
        %select_n3A_374 = arith.select %eq3A_371, %iota3A, %broadcast_in_dim3A_373 : vector<16x512xi1>, vector<16x512xi32>
        %reduce_min3A = arith.constant dense<2147483647> : vector<16xi32>
        %reduce_min3A_375 = vector.multi_reduction <minsi>, %select_n3A_374, %reduce_min3A [1] : vector<16x512xi32> to vector<16xi32>
        %broadcast_in_dim3A_376 = vector.shape_cast %reduce_min3A_375 : vector<16xi32> to vector<16x1xi32>
        %eq3A_377 = vector.broadcast %scan3A_365 : i32 to vector<16x32xi32>
        %eq3A_378 = arith.cmpi eq, %iota3A_60, %eq3A_377 : vector<16x32xi32>
        %broadcast_in_dim3A_379 = vector.shape_cast %broadcast_in_dim3A_376 : vector<16x1xi32> to vector<16x1xi32>
        %broadcast_in_dim3A_380 = vector.broadcast %broadcast_in_dim3A_379 : vector<16x1xi32> to vector<16x32xi32>
        %select_n3A_381 = arith.select %eq3A_378, %broadcast_in_dim3A_380, %scan3A_367 : vector<16x32xi1>, vector<16x32xi32>
        %eq3A_382 = vector.broadcast %broadcast_in_dim3A_376 : vector<16x1xi32> to vector<16x512xi32>
        %eq3A_383 = arith.cmpi eq, %iota3A, %eq3A_382 : vector<16x512xi32>
        %jit3A_384 = arith.constant -1.000000e+30 : f32
        %broadcast_in_dim3A_385 = vector.broadcast %jit3A_384 : f32 to vector<16x512xf32>
        %select_n3A_386 = arith.select %eq3A_383, %broadcast_in_dim3A_385, %scan3A_366 : vector<16x512xi1>, vector<16x512xf32>
        scf.yield %select_n3A_386, %select_n3A_381 : vector<16x512xf32>, vector<16x32xi32>
      }
      %scan3A_67 = arith.constant 32 : i32
      %swap3A_68 = arith.constant 0 : index
      %swap3A_69 = arith.constant 0 : index
      %swap3A_70 = vector.load %arg11[%swap3A_68, %swap3A_69] : memref<16x32xi32, #tpu.memory_space<vmem>>, vector<16x32xi32>
      tpu.vector_store %arg11[%swap3A_68, %swap3A_69], %scan3A_66#1 {strides = array<i32>} : memref<16x32xi32, #tpu.memory_space<vmem>>, vector<16x32xi32>,
      %scan3A_71 = arith.constant 0 : i32
      %scan3A_72 = arith.constant 32 : i32
      %scan3A_73 = arith.addi %scan3A_71, %scan3A_72 : i32
      %scan3A_74 = arith.constant 1 : i32
      %scan3A_75:2 = scf.for %scan3A_365 = %scan3A_71 to %scan3A_73 step %scan3A_74 iter_args(%scan3A_366 = %scan3A_66#1, %scan3A_367 = %broadcast_in_dim3A_62) -> (vector<16x32xi32>, vector<16x32xi32>)  : i32 {
        %reduce_min3A = arith.constant dense<2147483647> : vector<16xi32>
        %reduce_min3A_368 = vector.multi_reduction <minsi>, %scan3A_366, %reduce_min3A [1] : vector<16x32xi32> to vector<16xi32>
        %broadcast_in_dim3A_369 = vector.shape_cast %reduce_min3A_368 : vector<16xi32> to vector<16x1xi32>
        %eq3A_370 = vector.broadcast %scan3A_365 : i32 to vector<16x32xi32>
        %eq3A_371 = arith.cmpi eq, %iota3A_60, %eq3A_370 : vector<16x32xi32>
        %broadcast_in_dim3A_372 = vector.shape_cast %broadcast_in_dim3A_369 : vector<16x1xi32> to vector<16x1xi32>
        %broadcast_in_dim3A_373 = vector.broadcast %broadcast_in_dim3A_372 : vector<16x1xi32> to vector<16x32xi32>
        %select_n3A_374 = arith.select %eq3A_371, %broadcast_in_dim3A_373, %scan3A_367 : vector<16x32xi1>, vector<16x32xi32>
        %eq3A_375 = vector.broadcast %broadcast_in_dim3A_369 : vector<16x1xi32> to vector<16x32xi32>
        %eq3A_376 = arith.cmpi eq, %scan3A_366, %eq3A_375 : vector<16x32xi32>
        %jit3A_377 = arith.constant 1073741824 : i32
        %broadcast_in_dim3A_378 = vector.broadcast %jit3A_377 : i32 to vector<16x32xi32>
        %select_n3A_379 = arith.select %eq3A_376, %broadcast_in_dim3A_378, %scan3A_366 : vector<16x32xi1>, vector<16x32xi32>
        scf.yield %select_n3A_379, %select_n3A_374 : vector<16x32xi32>, vector<16x32xi32>
      }
      %scan3A_76 = arith.constant 32 : i32
      %iota3A_77 = tpu.iota {dimensions = array<i32: 1>} : vector<16x480xi32>
      %scan3A_78 = arith.constant 0 : i32
      %scan3A_79 = arith.constant 32 : i32
      %scan3A_80 = arith.addi %scan3A_78, %scan3A_79 : i32
      %scan3A_81 = arith.constant 1 : i32
      %scan3A_82 = scf.for %scan3A_365 = %scan3A_78 to %scan3A_80 step %scan3A_81 iter_args(%scan3A_366 = %iota3A_77) -> (vector<16x480xi32>)  : i32 {
        %eq3A_367 = vector.broadcast %scan3A_365 : i32 to vector<16x32xi32>
        %eq3A_368 = arith.cmpi eq, %iota3A_60, %eq3A_367 : vector<16x32xi32>
        %jit3A_369 = arith.constant 1073741824 : i32
        %broadcast_in_dim3A_370 = vector.broadcast %jit3A_369 : i32 to vector<16x32xi32>
        %select_n3A_371 = arith.select %eq3A_368, %scan3A_75#1, %broadcast_in_dim3A_370 : vector<16x32xi1>, vector<16x32xi32>
        %reduce_min3A = arith.constant dense<2147483647> : vector<16xi32>
        %reduce_min3A_372 = vector.multi_reduction <minsi>, %select_n3A_371, %reduce_min3A [1] : vector<16x32xi32> to vector<16xi32>
        %broadcast_in_dim3A_373 = vector.shape_cast %reduce_min3A_372 : vector<16xi32> to vector<16x1xi32>
        %le3A = vector.broadcast %broadcast_in_dim3A_373 : vector<16x1xi32> to vector<16x480xi32>
        %le3A_374 = arith.cmpi sle, %le3A, %scan3A_366 : vector<16x480xi32>
        %convert_element_type3A_375 = arith.extui %le3A_374 : vector<16x480xi1> to vector<16x480xi32>
        %add3A_376 = arith.addi %scan3A_366, %convert_element_type3A_375 : vector<16x480xi32>
        scf.yield %add3A_376 : vector<16x480xi32>
      }
      %scan3A_83 = arith.constant 32 : i32
      %iota3A_84 = tpu.iota {dimensions = array<i32: 0>} : vector<32x160xi32>
      %iota3A_85 = tpu.iota {dimensions = array<i32: 1>} : vector<32x160xi32>
      %jit3A = arith.constant 5 : i32
      %div3A = vector.broadcast %jit3A : i32 to vector<32x160xi32>
      %div3A_86 = arith.divsi %iota3A_85, %div3A : vector<32x160xi32>
      %sign3A = arith.constant 0 : i32
      %sign3A_87 = vector.broadcast %sign3A : i32 to vector<32x160xi32>
      %sign3A_88 = arith.cmpi sgt, %iota3A_85, %sign3A_87 : vector<32x160xi32>
      %sign3A_89 = arith.extui %sign3A_88 : vector<32x160xi1> to vector<32x160xi32>
      %sign3A_90 = arith.constant 0 : i32
      %sign3A_91 = vector.broadcast %sign3A_90 : i32 to vector<32x160xi32>
      %sign3A_92 = arith.cmpi slt, %iota3A_85, %sign3A_91 : vector<32x160xi32>
      %sign3A_93 = arith.extui %sign3A_92 : vector<32x160xi1> to vector<32x160xi32>
      %sign3A_94 = arith.subi %sign3A_89, %sign3A_93 : vector<32x160xi32>
      %sign3A_95 = arith.constant 0 : i32
      %sign3A_96 = arith.cmpi sgt, %jit3A, %sign3A_95 : i32
      %sign3A_97 = arith.extui %sign3A_96 : i1 to i32
      %sign3A_98 = arith.constant 0 : i32
      %sign3A_99 = arith.cmpi slt, %jit3A, %sign3A_98 : i32
      %sign3A_100 = arith.extui %sign3A_99 : i1 to i32
      %sign3A_101 = arith.subi %sign3A_97, %sign3A_100 : i32
      %ne3A = vector.broadcast %sign3A_101 : i32 to vector<32x160xi32>
      %ne3A_102 = arith.cmpi ne, %sign3A_94, %ne3A : vector<32x160xi32>
      %rem3A = vector.broadcast %jit3A : i32 to vector<32x160xi32>
      %rem3A_103 = arith.remsi %iota3A_85, %rem3A : vector<32x160xi32>
      %ne3A_104 = arith.constant 0 : i32
      %ne3A_105 = vector.broadcast %ne3A_104 : i32 to vector<32x160xi32>
      %ne3A_106 = arith.cmpi ne, %rem3A_103, %ne3A_105 : vector<32x160xi32>
      %and3A = arith.andi %ne3A_102, %ne3A_106 : vector<32x160xi1>
      %sub3A = arith.constant 1 : i32
      %sub3A_107 = vector.broadcast %sub3A : i32 to vector<32x160xi32>
      %sub3A_108 = arith.subi %div3A_86, %sub3A_107 : vector<32x160xi32>
      %select_n3A = arith.select %and3A, %sub3A_108, %div3A_86 : vector<32x160xi1>, vector<32x160xi32>
      %eq3A_109 = arith.cmpi eq, %iota3A_84, %select_n3A : vector<32x160xi32>
      %convert_element_type3A_110 = arith.extui %eq3A_109 : vector<32x160xi1> to vector<32x160xi32>
      %convert_element_type3A_111 = arith.sitofp %convert_element_type3A_110 : vector<32x160xi32> to vector<32x160xf32>
      %convert_element_type3A_112 = arith.sitofp %scan3A_66#1 : vector<16x32xi32> to vector<16x32xf32>
      %dot_general3A_113 = arith.constant dense<0.000000e+00> : vector<16x160xf32>
      %dot_general3A_114 = tpu.matmul %convert_element_type3A_112, %convert_element_type3A_111, %dot_general3A_113 {dimension_numbers = #tpu.dot_dimension_numbers<[1], [0], [0], [1], [0, 0, 1, 1], [], []>, precision = #tpu.contract_precision<fp32>, transpose_lhs_hint = false} : vector<16x32xf32>, vector<32x160xf32>, vector<16x160xf32> -> vector<16x160xf32>
      %convert_element_type3A_115 = arith.fptosi %dot_general3A_114 : vector<16x160xf32> to vector<16x160xi32>
      %iota3A_116 = tpu.iota {dimensions = array<i32: 0>} : vector<480x2400xi32>
      %iota3A_117 = tpu.iota {dimensions = array<i32: 1>} : vector<480x2400xi32>
      %jit3A_118 = arith.constant 5 : i32
      %div3A_119 = vector.broadcast %jit3A_118 : i32 to vector<480x2400xi32>
      %div3A_120 = arith.divsi %iota3A_117, %div3A_119 : vector<480x2400xi32>
      %sign3A_121 = arith.constant 0 : i32
      %sign3A_122 = vector.broadcast %sign3A_121 : i32 to vector<480x2400xi32>
      %sign3A_123 = arith.cmpi sgt, %iota3A_117, %sign3A_122 : vector<480x2400xi32>
      %sign3A_124 = arith.extui %sign3A_123 : vector<480x2400xi1> to vector<480x2400xi32>
      %sign3A_125 = arith.constant 0 : i32
      %sign3A_126 = vector.broadcast %sign3A_125 : i32 to vector<480x2400xi32>
      %sign3A_127 = arith.cmpi slt, %iota3A_117, %sign3A_126 : vector<480x2400xi32>
      %sign3A_128 = arith.extui %sign3A_127 : vector<480x2400xi1> to vector<480x2400xi32>
      %sign3A_129 = arith.subi %sign3A_124, %sign3A_128 : vector<480x2400xi32>
      %sign3A_130 = arith.constant 0 : i32
      %sign3A_131 = arith.cmpi sgt, %jit3A_118, %sign3A_130 : i32
      %sign3A_132 = arith.extui %sign3A_131 : i1 to i32
      %sign3A_133 = arith.constant 0 : i32
      %sign3A_134 = arith.cmpi slt, %jit3A_118, %sign3A_133 : i32
      %sign3A_135 = arith.extui %sign3A_134 : i1 to i32
      %sign3A_136 = arith.subi %sign3A_132, %sign3A_135 : i32
      %ne3A_137 = vector.broadcast %sign3A_136 : i32 to vector<480x2400xi32>
      %ne3A_138 = arith.cmpi ne, %sign3A_129, %ne3A_137 : vector<480x2400xi32>
      %rem3A_139 = vector.broadcast %jit3A_118 : i32 to vector<480x2400xi32>
      %rem3A_140 = arith.remsi %iota3A_117, %rem3A_139 : vector<480x2400xi32>
      %ne3A_141 = arith.constant 0 : i32
      %ne3A_142 = vector.broadcast %ne3A_141 : i32 to vector<480x2400xi32>
      %ne3A_143 = arith.cmpi ne, %rem3A_140, %ne3A_142 : vector<480x2400xi32>
      %and3A_144 = arith.andi %ne3A_138, %ne3A_143 : vector<480x2400xi1>
      %sub3A_145 = arith.constant 1 : i32
      %sub3A_146 = vector.broadcast %sub3A_145 : i32 to vector<480x2400xi32>
      %sub3A_147 = arith.subi %div3A_120, %sub3A_146 : vector<480x2400xi32>
      %select_n3A_148 = arith.select %and3A_144, %sub3A_147, %div3A_120 : vector<480x2400xi1>, vector<480x2400xi32>
      %eq3A_149 = arith.cmpi eq, %iota3A_116, %select_n3A_148 : vector<480x2400xi32>
      %convert_element_type3A_150 = arith.extui %eq3A_149 : vector<480x2400xi1> to vector<480x2400xi32>
      %convert_element_type3A_151 = arith.sitofp %convert_element_type3A_150 : vector<480x2400xi32> to vector<480x2400xf32>
      %convert_element_type3A_152 = arith.sitofp %scan3A_82 : vector<16x480xi32> to vector<16x480xf32>
      %dot_general3A_153 = arith.constant dense<0.000000e+00> : vector<16x2400xf32>
      %dot_general3A_154 = tpu.matmul %convert_element_type3A_152, %convert_element_type3A_151, %dot_general3A_153 {dimension_numbers = #tpu.dot_dimension_numbers<[1], [0], [0], [1], [0, 0, 1, 1], [], []>, precision = #tpu.contract_precision<fp32>, transpose_lhs_hint = false} : vector<16x480xf32>, vector<480x2400xf32>, vector<16x2400xf32> -> vector<16x2400xf32>
      %convert_element_type3A_155 = arith.fptosi %dot_general3A_154 : vector<16x2400xf32> to vector<16x2400xi32>
      %swap3A_156 = arith.constant 0 : index
      %swap3A_157 = arith.constant 0 : index
      %swap3A_158 = arith.constant 0 : index
      %swap3A_159 = vector.load %arg12[%swap3A_156, %swap3A_157, %swap3A_158] : memref<16x2x160xi32, #tpu.memory_space<vmem>>, vector<16x1x160xi32>
      %swap3A_160 = vector.shape_cast %swap3A_159 : vector<16x1x160xi32> to vector<16x160xi32>
      %swap3A_161 = vector.shape_cast %convert_element_type3A_115 : vector<16x160xi32> to vector<16x1x160xi32>
      tpu.vector_store %arg12[%swap3A_156, %swap3A_157, %swap3A_158], %swap3A_161 {strides = array<i32>} : memref<16x2x160xi32, #tpu.memory_space<vmem>>, vector<16x1x160xi32>,
      %iota3A_162 = tpu.iota {dimensions = array<i32: 1>} : vector<16x160xi32>
      %jit3A_163 = arith.constant 5 : i32
      %eq3A_164 = arith.constant 0 : i32
      %eq3A_165 = arith.cmpi eq, %jit3A_163, %eq3A_164 : i32
      %jit3A_166 = arith.constant 1 : i32
      %select_n3A_167 = arith.select %eq3A_165, %jit3A_166, %jit3A_163 : i32
      %rem3A_168 = vector.broadcast %select_n3A_167 : i32 to vector<16x160xi32>
      %rem3A_169 = arith.remsi %iota3A_162, %rem3A_168 : vector<16x160xi32>
      %ne3A_170 = arith.constant 0 : i32
      %ne3A_171 = vector.broadcast %ne3A_170 : i32 to vector<16x160xi32>
      %ne3A_172 = arith.cmpi ne, %rem3A_169, %ne3A_171 : vector<16x160xi32>
      %lt3A = arith.constant 0 : i32
      %lt3A_173 = vector.broadcast %lt3A : i32 to vector<16x160xi32>
      %lt3A_174 = arith.cmpi slt, %rem3A_169, %lt3A_173 : vector<16x160xi32>
      %lt3A_175 = arith.constant 0 : i32
      %lt3A_176 = arith.cmpi slt, %select_n3A_167, %lt3A_175 : i32
      %ne3A_177 = vector.broadcast %lt3A_176 : i1 to vector<16x160xi1>
      %ne3A_178 = vector.broadcast %ne3A_177 : vector<16x160xi1> to vector<16x160xi1>
      %ne3A_179 = arith.xori %lt3A_174, %ne3A_178 : vector<16x160xi1>
      %and3A_180 = arith.andi %ne3A_179, %ne3A_172 : vector<16x160xi1>
      %add3A_181 = vector.broadcast %select_n3A_167 : i32 to vector<16x160xi32>
      %add3A_182 = arith.addi %rem3A_169, %add3A_181 : vector<16x160xi32>
      %select_n3A_183 = arith.select %and3A_180, %add3A_182, %rem3A_169 : vector<16x160xi1>, vector<16x160xi32>
      %sub3A_184 = arith.constant 2 : i32
      %sub3A_185 = vector.broadcast %sub3A_184 : i32 to vector<16x160xi32>
      %sub3A_186 = arith.subi %select_n3A_183, %sub3A_185 : vector<16x160xi32>
      %add3A_187 = arith.addi %convert_element_type3A_115, %sub3A_186 : vector<16x160xi32>
      %jit3A_188 = arith.constant 0 : i32
      %jit3A_189 = arith.constant 511 : i32
      %max3A = vector.broadcast %jit3A_188 : i32 to vector<16x160xi32>
      %max3A_190 = arith.maxsi %max3A, %add3A_187 : vector<16x160xi32>
      %min3A = vector.broadcast %jit3A_189 : i32 to vector<16x160xi32>
      %min3A_191 = arith.minsi %min3A, %max3A_190 : vector<16x160xi32>
      %swap3A_192 = arith.constant 0 : index
      %swap3A_193 = arith.constant 1 : index
      %swap3A_194 = arith.constant 0 : index
      %swap3A_195 = vector.load %arg12[%swap3A_192, %swap3A_193, %swap3A_194] : memref<16x2x160xi32, #tpu.memory_space<vmem>>, vector<16x1x160xi32>
      %swap3A_196 = vector.shape_cast %swap3A_195 : vector<16x1x160xi32> to vector<16x160xi32>
      %swap3A_197 = vector.shape_cast %min3A_191 : vector<16x160xi32> to vector<16x1x160xi32>
      tpu.vector_store %arg12[%swap3A_192, %swap3A_193, %swap3A_194], %swap3A_197 {strides = array<i32>} : memref<16x2x160xi32, #tpu.memory_space<vmem>>, vector<16x1x160xi32>,
      %swap3A_198 = arith.constant 0 : index
      %swap3A_199 = arith.constant 0 : index
      %swap3A_200 = arith.constant 0 : index
      %swap3A_201 = vector.load %arg13[%swap3A_198, %swap3A_199, %swap3A_200] : memref<16x2x2400xi32, #tpu.memory_space<vmem>>, vector<16x1x2400xi32>
      %swap3A_202 = vector.shape_cast %swap3A_201 : vector<16x1x2400xi32> to vector<16x2400xi32>
      %swap3A_203 = vector.shape_cast %convert_element_type3A_155 : vector<16x2400xi32> to vector<16x1x2400xi32>
      tpu.vector_store %arg13[%swap3A_198, %swap3A_199, %swap3A_200], %swap3A_203 {strides = array<i32>} : memref<16x2x2400xi32, #tpu.memory_space<vmem>>, vector<16x1x2400xi32>,
      %iota3A_204 = tpu.iota {dimensions = array<i32: 1>} : vector<16x2400xi32>
      %jit3A_205 = arith.constant 5 : i32
      %eq3A_206 = arith.constant 0 : i32
      %eq3A_207 = arith.cmpi eq, %jit3A_205, %eq3A_206 : i32
      %jit3A_208 = arith.constant 1 : i32
      %select_n3A_209 = arith.select %eq3A_207, %jit3A_208, %jit3A_205 : i32
      %rem3A_210 = vector.broadcast %select_n3A_209 : i32 to vector<16x2400xi32>
      %rem3A_211 = arith.remsi %iota3A_204, %rem3A_210 : vector<16x2400xi32>
      %ne3A_212 = arith.constant 0 : i32
      %ne3A_213 = vector.broadcast %ne3A_212 : i32 to vector<16x2400xi32>
      %ne3A_214 = arith.cmpi ne, %rem3A_211, %ne3A_213 : vector<16x2400xi32>
      %lt3A_215 = arith.constant 0 : i32
      %lt3A_216 = vector.broadcast %lt3A_215 : i32 to vector<16x2400xi32>
      %lt3A_217 = arith.cmpi slt, %rem3A_211, %lt3A_216 : vector<16x2400xi32>
      %lt3A_218 = arith.constant 0 : i32
      %lt3A_219 = arith.cmpi slt, %select_n3A_209, %lt3A_218 : i32
      %ne3A_220 = vector.broadcast %lt3A_219 : i1 to vector<16x2400xi1>
      %ne3A_221 = vector.broadcast %ne3A_220 : vector<16x2400xi1> to vector<16x2400xi1>
      %ne3A_222 = arith.xori %lt3A_217, %ne3A_221 : vector<16x2400xi1>
      %and3A_223 = arith.andi %ne3A_222, %ne3A_214 : vector<16x2400xi1>
      %add3A_224 = vector.broadcast %select_n3A_209 : i32 to vector<16x2400xi32>
      %add3A_225 = arith.addi %rem3A_211, %add3A_224 : vector<16x2400xi32>
      %select_n3A_226 = arith.select %and3A_223, %add3A_225, %rem3A_211 : vector<16x2400xi1>, vector<16x2400xi32>
      %sub3A_227 = arith.constant 2 : i32
      %sub3A_228 = vector.broadcast %sub3A_227 : i32 to vector<16x2400xi32>
      %sub3A_229 = arith.subi %select_n3A_226, %sub3A_228 : vector<16x2400xi32>
      %add3A_230 = arith.addi %convert_element_type3A_155, %sub3A_229 : vector<16x2400xi32>
      %jit3A_231 = arith.constant 0 : i32
      %jit3A_232 = arith.constant 511 : i32
      %max3A_233 = vector.broadcast %jit3A_231 : i32 to vector<16x2400xi32>
      %max3A_234 = arith.maxsi %max3A_233, %add3A_230 : vector<16x2400xi32>
      %min3A_235 = vector.broadcast %jit3A_232 : i32 to vector<16x2400xi32>
      %min3A_236 = arith.minsi %min3A_235, %max3A_234 : vector<16x2400xi32>
      %swap3A_237 = arith.constant 0 : index
      %swap3A_238 = arith.constant 1 : index
      %swap3A_239 = arith.constant 0 : index
      %swap3A_240 = vector.load %arg13[%swap3A_237, %swap3A_238, %swap3A_239] : memref<16x2x2400xi32, #tpu.memory_space<vmem>>, vector<16x1x2400xi32>
      %swap3A_241 = vector.shape_cast %swap3A_240 : vector<16x1x2400xi32> to vector<16x2400xi32>
      %swap3A_242 = vector.shape_cast %min3A_236 : vector<16x2400xi32> to vector<16x1x2400xi32>
      tpu.vector_store %arg13[%swap3A_237, %swap3A_238, %swap3A_239], %swap3A_242 {strides = array<i32>} : memref<16x2x2400xi32, #tpu.memory_space<vmem>>, vector<16x1x2400xi32>,
      %iota3A_243 = tpu.iota {dimensions = array<i32: 0>} : vector<16x32xi32>
      %mul3A = arith.constant 512 : i32
      %mul3A_244 = vector.broadcast %mul3A : i32 to vector<16x32xi32>
      %mul3A_245 = arith.muli %mul3A_244, %iota3A_243 : vector<16x32xi32>
      %add3A_246 = arith.addi %scan3A_66#1, %mul3A_245 : vector<16x32xi32>
      %swap3A_247 = arith.constant 0 : index
      %swap3A_248 = arith.constant 0 : index
      %swap3A_249 = vector.load %arg14[%swap3A_247, %swap3A_248] : memref<16x32xi32, #tpu.memory_space<vmem>>, vector<16x32xi32>
      tpu.vector_store %arg14[%swap3A_247, %swap3A_248], %add3A_246 {strides = array<i32>} : memref<16x32xi32, #tpu.memory_space<vmem>>, vector<16x32xi32>,
      %iota3A_250 = tpu.iota {dimensions = array<i32: 0>} : vector<16x480xi32>
      %mul3A_251 = arith.constant 512 : i32
      %mul3A_252 = vector.broadcast %mul3A_251 : i32 to vector<16x480xi32>
      %mul3A_253 = arith.muli %mul3A_252, %iota3A_250 : vector<16x480xi32>
      %add3A_254 = arith.addi %scan3A_82, %mul3A_253 : vector<16x480xi32>
      %swap3A_255 = arith.constant 0 : index
      %swap3A_256 = arith.constant 0 : index
      %swap3A_257 = vector.load %arg16[%swap3A_255, %swap3A_256] : memref<16x480xi32, #tpu.memory_space<vmem>>, vector<16x480xi32>
      tpu.vector_store %arg16[%swap3A_255, %swap3A_256], %add3A_254 {strides = array<i32>} : memref<16x480xi32, #tpu.memory_space<vmem>>, vector<16x480xi32>,
      %add3A_258 = arith.constant -2 : i32
      %add3A_259 = vector.broadcast %add3A_258 : i32 to vector<16x32xi32>
      %add3A_260 = arith.addi %scan3A_66#1, %add3A_259 : vector<16x32xi32>
      %jit3A_261 = arith.constant 0 : i32
      %jit3A_262 = arith.constant 511 : i32
      %max3A_263 = vector.broadcast %jit3A_261 : i32 to vector<16x32xi32>
      %max3A_264 = arith.maxsi %max3A_263, %add3A_260 : vector<16x32xi32>
      %min3A_265 = vector.broadcast %jit3A_262 : i32 to vector<16x32xi32>
      %min3A_266 = arith.minsi %min3A_265, %max3A_264 : vector<16x32xi32>
      %add3A_267 = arith.constant -1 : i32
      %add3A_268 = vector.broadcast %add3A_267 : i32 to vector<16x32xi32>
      %add3A_269 = arith.addi %scan3A_66#1, %add3A_268 : vector<16x32xi32>
      %jit3A_270 = arith.constant 0 : i32
      %jit3A_271 = arith.constant 511 : i32
      %max3A_272 = vector.broadcast %jit3A_270 : i32 to vector<16x32xi32>
      %max3A_273 = arith.maxsi %max3A_272, %add3A_269 : vector<16x32xi32>
      %min3A_274 = vector.broadcast %jit3A_271 : i32 to vector<16x32xi32>
      %min3A_275 = arith.minsi %min3A_274, %max3A_273 : vector<16x32xi32>
      %add3A_276 = arith.constant 0 : i32
      %add3A_277 = vector.broadcast %add3A_276 : i32 to vector<16x32xi32>
      %add3A_278 = arith.addi %scan3A_66#1, %add3A_277 : vector<16x32xi32>
      %jit3A_279 = arith.constant 0 : i32
      %jit3A_280 = arith.constant 511 : i32
      %max3A_281 = vector.broadcast %jit3A_279 : i32 to vector<16x32xi32>
      %max3A_282 = arith.maxsi %max3A_281, %add3A_278 : vector<16x32xi32>
      %min3A_283 = vector.broadcast %jit3A_280 : i32 to vector<16x32xi32>
      %min3A_284 = arith.minsi %min3A_283, %max3A_282 : vector<16x32xi32>
      %add3A_285 = arith.constant 1 : i32
      %add3A_286 = vector.broadcast %add3A_285 : i32 to vector<16x32xi32>
      %add3A_287 = arith.addi %scan3A_66#1, %add3A_286 : vector<16x32xi32>
      %jit3A_288 = arith.constant 0 : i32
      %jit3A_289 = arith.constant 511 : i32
      %max3A_290 = vector.broadcast %jit3A_288 : i32 to vector<16x32xi32>
      %max3A_291 = arith.maxsi %max3A_290, %add3A_287 : vector<16x32xi32>
      %min3A_292 = vector.broadcast %jit3A_289 : i32 to vector<16x32xi32>
      %min3A_293 = arith.minsi %min3A_292, %max3A_291 : vector<16x32xi32>
      %add3A_294 = arith.constant 2 : i32
      %add3A_295 = vector.broadcast %add3A_294 : i32 to vector<16x32xi32>
      %add3A_296 = arith.addi %scan3A_66#1, %add3A_295 : vector<16x32xi32>
      %jit3A_297 = arith.constant 0 : i32
      %jit3A_298 = arith.constant 511 : i32
      %max3A_299 = vector.broadcast %jit3A_297 : i32 to vector<16x32xi32>
      %max3A_300 = arith.maxsi %max3A_299, %add3A_296 : vector<16x32xi32>
      %min3A_301 = vector.broadcast %jit3A_298 : i32 to vector<16x32xi32>
      %min3A_302 = arith.minsi %min3A_301, %max3A_300 : vector<16x32xi32>
      %concatenate3A = tpu.concatenate %min3A_266, %min3A_275, %min3A_284, %min3A_293, %min3A_302 in 1 : vector<16x32xi32>, vector<16x32xi32>, vector<16x32xi32>, vector<16x32xi32>, vector<16x32xi32> -> vector<16x160xi32>
      %iota3A_303 = tpu.iota {dimensions = array<i32: 0>} : vector<16x160xi32>
      %mul3A_304 = arith.constant 512 : i32
      %mul3A_305 = vector.broadcast %mul3A_304 : i32 to vector<16x160xi32>
      %mul3A_306 = arith.muli %mul3A_305, %iota3A_303 : vector<16x160xi32>
      %add3A_307 = arith.addi %concatenate3A, %mul3A_306 : vector<16x160xi32>
      %swap3A_308 = arith.constant 0 : index
      %swap3A_309 = arith.constant 0 : index
      %swap3A_310 = vector.load %arg15[%swap3A_308, %swap3A_309] : memref<16x160xi32, #tpu.memory_space<vmem>>, vector<16x160xi32>
      tpu.vector_store %arg15[%swap3A_308, %swap3A_309], %add3A_307 {strides = array<i32>} : memref<16x160xi32, #tpu.memory_space<vmem>>, vector<16x160xi32>,
      %add3A_311 = arith.constant -2 : i32
      %add3A_312 = vector.broadcast %add3A_311 : i32 to vector<16x480xi32>
      %add3A_313 = arith.addi %scan3A_82, %add3A_312 : vector<16x480xi32>
      %jit3A_314 = arith.constant 0 : i32
      %jit3A_315 = arith.constant 511 : i32
      %max3A_316 = vector.broadcast %jit3A_314 : i32 to vector<16x480xi32>
      %max3A_317 = arith.maxsi %max3A_316, %add3A_313 : vector<16x480xi32>
      %min3A_318 = vector.broadcast %jit3A_315 : i32 to vector<16x480xi32>
      %min3A_319 = arith.minsi %min3A_318, %max3A_317 : vector<16x480xi32>
      %add3A_320 = arith.constant -1 : i32
      %add3A_321 = vector.broadcast %add3A_320 : i32 to vector<16x480xi32>
      %add3A_322 = arith.addi %scan3A_82, %add3A_321 : vector<16x480xi32>
      %jit3A_323 = arith.constant 0 : i32
      %jit3A_324 = arith.constant 511 : i32
      %max3A_325 = vector.broadcast %jit3A_323 : i32 to vector<16x480xi32>
      %max3A_326 = arith.maxsi %max3A_325, %add3A_322 : vector<16x480xi32>
      %min3A_327 = vector.broadcast %jit3A_324 : i32 to vector<16x480xi32>
      %min3A_328 = arith.minsi %min3A_327, %max3A_326 : vector<16x480xi32>
      %add3A_329 = arith.constant 0 : i32
      %add3A_330 = vector.broadcast %add3A_329 : i32 to vector<16x480xi32>
      %add3A_331 = arith.addi %scan3A_82, %add3A_330 : vector<16x480xi32>
      %jit3A_332 = arith.constant 0 : i32
      %jit3A_333 = arith.constant 511 : i32
      %max3A_334 = vector.broadcast %jit3A_332 : i32 to vector<16x480xi32>
      %max3A_335 = arith.maxsi %max3A_334, %add3A_331 : vector<16x480xi32>
      %min3A_336 = vector.broadcast %jit3A_333 : i32 to vector<16x480xi32>
      %min3A_337 = arith.minsi %min3A_336, %max3A_335 : vector<16x480xi32>
      %add3A_338 = arith.constant 1 : i32
      %add3A_339 = vector.broadcast %add3A_338 : i32 to vector<16x480xi32>
      %add3A_340 = arith.addi %scan3A_82, %add3A_339 : vector<16x480xi32>
      %jit3A_341 = arith.constant 0 : i32
      %jit3A_342 = arith.constant 511 : i32
      %max3A_343 = vector.broadcast %jit3A_341 : i32 to vector<16x480xi32>
      %max3A_344 = arith.maxsi %max3A_343, %add3A_340 : vector<16x480xi32>
      %min3A_345 = vector.broadcast %jit3A_342 : i32 to vector<16x480xi32>
      %min3A_346 = arith.minsi %min3A_345, %max3A_344 : vector<16x480xi32>
      %add3A_347 = arith.constant 2 : i32
      %add3A_348 = vector.broadcast %add3A_347 : i32 to vector<16x480xi32>
      %add3A_349 = arith.addi %scan3A_82, %add3A_348 : vector<16x480xi32>
      %jit3A_350 = arith.constant 0 : i32
      %jit3A_351 = arith.constant 511 : i32
      %max3A_352 = vector.broadcast %jit3A_350 : i32 to vector<16x480xi32>
      %max3A_353 = arith.maxsi %max3A_352, %add3A_349 : vector<16x480xi32>
      %min3A_354 = vector.broadcast %jit3A_351 : i32 to vector<16x480xi32>
      %min3A_355 = arith.minsi %min3A_354, %max3A_353 : vector<16x480xi32>
      %concatenate3A_356 = tpu.concatenate %min3A_319, %min3A_328, %min3A_337, %min3A_346, %min3A_355 in 1 : vector<16x480xi32>, vector<16x480xi32>, vector<16x480xi32>, vector<16x480xi32>, vector<16x480xi32> -> vector<16x2400xi32>
      %iota3A_357 = tpu.iota {dimensions = array<i32: 0>} : vector<16x2400xi32>
      %mul3A_358 = arith.constant 512 : i32
      %mul3A_359 = vector.broadcast %mul3A_358 : i32 to vector<16x2400xi32>
      %mul3A_360 = arith.muli %mul3A_359, %iota3A_357 : vector<16x2400xi32>
      %add3A_361 = arith.addi %concatenate3A_356, %mul3A_360 : vector<16x2400xi32>
      %swap3A_362 = arith.constant 0 : index
      %swap3A_363 = arith.constant 0 : index
      %swap3A_364 = vector.load %arg17[%swap3A_362, %swap3A_363] : memref<16x2400xi32, #tpu.memory_space<vmem>>, vector<16x2400xi32>
      tpu.vector_store %arg17[%swap3A_362, %swap3A_363], %add3A_361 {strides = array<i32>} : memref<16x2400xi32, #tpu.memory_space<vmem>>, vector<16x2400xi32>,
    } else {
    }
    return
  }
  func.func @transform_0(%arg0: i32) -> (i32, i32, i32) {
    %c0_i32 = arith.constant 0 : i32
    %c0_i32_0 = arith.constant 0 : i32
    %c0_i32_1 = arith.constant 0 : i32
    return %arg0, %c0_i32, %c0_i32_0 : i32, i32, i32
  }
  func.func @transform_1(%arg0: i32) -> (i32, i32) {
    %c0_i32 = arith.constant 0 : i32
    %c0_i32_0 = arith.constant 0 : i32
    %c0_i32_1 = arith.constant 0 : i32
    return %c0_i32, %c0_i32_0 : i32, i32
  }
  func.func @transform_2(%arg0: i32) -> i32 {
    %c0_i32 = arith.constant 0 : i32
    %c0_i32_0 = arith.constant 0 : i32
    return %c0_i32 : i32
  }
  func.func @transform_3(%arg0: i32) -> (i32, i32) {
    %c0_i32 = arith.constant 0 : i32
    %c0_i32_0 = arith.constant 0 : i32
    %c0_i32_1 = arith.constant 0 : i32
    return %c0_i32, %c0_i32_0 : i32, i32
  }
  func.func @transform_4(%arg0: i32) -> i32 {
    %c0_i32 = arith.constant 0 : i32
    %c0_i32_0 = arith.constant 0 : i32
    return %c0_i32 : i32
  }
  func.func @transform_5(%arg0: i32) -> (i32, i32) {
    %c0_i32 = arith.constant 0 : i32
    %c0_i32_0 = arith.constant 0 : i32
    %c0_i32_1 = arith.constant 0 : i32
    return %c0_i32, %c0_i32_0 : i32, i32
  }
  func.func @transform_6(%arg0: i32) -> (i32, i32) {
    %c0_i32 = arith.constant 0 : i32
    %c0_i32_0 = arith.constant 0 : i32
    %c0_i32_1 = arith.constant 0 : i32
    return %c0_i32, %c0_i32_0 : i32, i32
  }
  func.func @transform_7(%arg0: i32) -> (i32, i32, i32) {
    %c0_i32 = arith.constant 0 : i32
    %c0_i32_0 = arith.constant 0 : i32
    %c0_i32_1 = arith.constant 0 : i32
    return %arg0, %c0_i32, %c0_i32_0 : i32, i32, i32
  }
  func.func @transform_8(%arg0: i32) -> (i32, i32, i32) {
    %c0_i32 = arith.constant 0 : i32
    %c0_i32_0 = arith.constant 0 : i32
    %c0_i32_1 = arith.constant 0 : i32
    return %arg0, %c0_i32, %c0_i32_0 : i32, i32, i32
  }
  func.func @transform_9(%arg0: i32) -> (i32, i32, i32) {
    %c0_i32 = arith.constant 0 : i32
    %c0_i32_0 = arith.constant 0 : i32
    %c0_i32_1 = arith.constant 0 : i32
    %c0_i32_2 = arith.constant 0 : i32
    return %c0_i32, %c0_i32_0, %c0_i32_1 : i32, i32, i32
  }
  func.func @transform_10(%arg0: i32) -> (i32, i32) {
    %c0_i32 = arith.constant 0 : i32
    %c0_i32_0 = arith.constant 0 : i32
    %c0_i32_1 = arith.constant 0 : i32
    return %c0_i32, %c0_i32_0 : i32, i32
  }
  func.func @transform_11(%arg0: i32) -> (i32, i32, i32) {
    %c0_i32 = arith.constant 0 : i32
    %c0_i32_0 = arith.constant 0 : i32
    %c0_i32_1 = arith.constant 0 : i32
    %c0_i32_2 = arith.constant 0 : i32
    return %c0_i32, %c0_i32_0, %c0_i32_1 : i32, i32, i32
  }
  func.func @transform_12(%arg0: i32) -> (i32, i32, i32) {
    %c0_i32 = arith.constant 0 : i32
    %c0_i32_0 = arith.constant 0 : i32
    %c0_i32_1 = arith.constant 0 : i32
    %c0_i32_2 = arith.constant 0 : i32
    return %c0_i32, %c0_i32_0, %c0_i32_1 : i32, i32, i32
  }
  func.func @transform_13(%arg0: i32) -> (i32, i32) {
    %c0_i32 = arith.constant 0 : i32
    %c0_i32_0 = arith.constant 0 : i32
    %c0_i32_1 = arith.constant 0 : i32
    return %c0_i32, %c0_i32_0 : i32, i32
  }
  func.func @transform_14(%arg0: i32) -> (i32, i32) {
    %c0_i32 = arith.constant 0 : i32
    %c0_i32_0 = arith.constant 0 : i32
    %c0_i32_1 = arith.constant 0 : i32
    return %c0_i32, %c0_i32_0 : i32, i32
  }
  func.func @transform_15(%arg0: i32) -> (i32, i32) {
    %c0_i32 = arith.constant 0 : i32
    %c0_i32_0 = arith.constant 0 : i32
    %c0_i32_1 = arith.constant 0 : i32
    return %c0_i32, %c0_i32_0 : i32, i32
  }
  func.func @transform_16(%arg0: i32) -> (i32, i32) {
    %c0_i32 = arith.constant 0 : i32
    %c0_i32_0 = arith.constant 0 : i32
    %c0_i32_1 = arith.constant 0 : i32
    return %c0_i32, %c0_i32_0 : i32, i32
  }
}

</mosaic_0001>

<sc_bundles>
// kernel: kernel.5.cloned.1.call-start
scs
__scs_entry_jumppad:
0x0: {  	(pc) =	sbr.rel $0x88, $3  }
0x1: {  	(tag) =	ssettag $0x0;
	lr =	simm.s32 $0x1  }
0x2: {  	[smem:$0x3F9A] =	sst lr;
	_ =	strace $0xD0000000  }
0x3: {  	_ = 	snop  }
0x4: {  	_ = 	snop  }
0x5: {  	_ = 	snop  }
0x6: {  	_ = 	snop  }
0x7: {  	_ = 	snop  }
__scs_overlays_trampoline_lowered:
0x8: {  	[smem:$0x3FA9] =	sst s0  }
0x9: {  	[smem:$0x3FAA] =	sst s1  }
0xa: {  	[smem:$0x3FAB] =	sst s2  }
0xb: {  	[smem:$0x3FAC] =	sst s3  }
0xc: {  	[smem:$0x3FAD] =	sst s4  }
0xd: {  	[smem:$0x3FAE] =	sst s5  }
0xe: {  	[smem:$0x3FAF] =	sst s6  }
0xf: {  	[smem:$0x3FB0] =	sst s7  }
0x10: {  	[smem:$0x3FB1] =	sst s8  }
0x11: {  	[smem:$0x3FB2] =	sst s9;
	s0 =	simm.s32 @!p0 $0x0  }
0x12: {  	s1 =	sld [smem:$0x3F98];
	s0 =	simm.s32 @p0 $0x1  }
0x13: {  	[smem:$0x3FB3] =	sst s0;
	s0 =	simm.s32 @!p1 $0x0  }
0x14: {  	s2 =	sld [smem:$0x3F97];
	s0 =	simm.s32 @p1 $0x1  }
0x15: {  	[smem:$0x3FB4] =	sst s0;
	s0 =	simm.s32 @!p2 $0x0  }
0x16: {  	s3 =	sld [smem:$0x3FDB];
	s0 =	simm.s32 @p2 $0x1  }
0x17: {  	s4 =	simm.s32 $0x1BF5;
	[smem:$0x3FB6] =	sst s0  }
0x18: {  	s0 =	sld [smem:$0x3F99];
	_ =	swait.ge [sflag:s4], $0x0  }
0x19: {  	s7 =	sld [smem:$0x3F9A]  }
0x1a: {  	s8 =	sadd.s32 $0xFFFFE003, lr  }
0x1b: {  	s9 =	sadd.s32 $0xFFFFFEF7, lr;
	s5 =	simm.s32 $0xFFFFFFFF;
	p2 =	slt.u32 s8, $0xFFFFF086  }
0x1c: {  	p1 =	slt.u32 s9, $0xF7A;
	s5 =	simm.s32 @!p2 $0x0  }
0x1d: {  	s5 =	simm.s32 @p1 $0x1;
	p0 =	seq.s32 s7, s2  }
0x1e: {  	s7 =	smul.u32 @!p0 $0xF7A, s2;
	p2 =	seq.s32 @!p0 s5, $0x0  }
0x1f: {  	s9 =	smul.u32 $0xF7A, s1;
	s8 =	simm.s32 @!p0 $0x1BF5;
	p2 =	por !p2, p0  }
0x20: {  	[sflag:s8] =	ssyncset.s32 @!p0 $0xFFFFF086;
	s6 =	sadd.s32 @!p0 s3, s7;
	s7 =	simm.s32 @!p0 $0x108  }
0x21: {  	s3 =	sadd.s32 s3, s9;
	s6 =	sadd.s32 @!p0 $0x88, s6;
	s7 =	simm.s32 @p2 $0x1082  }
0x22: {  	[simem:s7], [sflag:s8] =	dma.local @!p0 [hbm:s6], $0xF7A  }
0x23: {  	s9 =	sor.u32 $0xD0000000, s2;
	s6 =	simm.s32 $0x108;
	_ =	swait.ge @!p0 [sflag:s8], $0x0  }
0x24: {  	s3 =	sadd.s32 $0x88, s3;
	s6 =	simm.s32 @!p1 $0x1082;
	[sflag:s4] =	ssyncset.s32 $0xFFFFF086  }
0x25: {  	[simem:s6], [sflag:s4] =	dma.local [hbm:s3], $0xF7A  }
0x26: {  	[smem:$0x3F9A] =	sst s1;
	(tag) =	ssettag s2;
	_ =	strace s9  }
0x27: {  	s1 =	sld [smem:$0x3FAA]  }
0x28: {  	s2 =	sld [smem:$0x3FAB]  }
0x29: {  	s4 =	sld [smem:$0x3FAD]  }
0x2a: {  	p0 =	seq.s32 s5, $0x0;
	s5 =	sld [smem:$0x3FAE]  }
0x2b: {  	s6 =	sld [smem:$0x3FAF]  }
0x2c: {  	s7 =	sld [smem:$0x3FB0]  }
0x2d: {  	s3 =	simm.s32 $0x108;
	s8 =	sld [smem:$0x3FB1]  }
0x2e: {  	s3 =	simm.s32 @!p0 $0x1082;
	s9 =	sld [smem:$0x3FB2]  }
0x2f: {  	lr =	sadd.s32 s0, s3;
	s0 =	sld [smem:$0x3FA9]  }
0x30: {  	s3 =	sld [smem:$0x3FAC]  }
0x31: {  	[smem:$0x3FB5] =	sst s10  }
0x32: {  	s10 =	sld [smem:$0x3FB3];
	_ =	sdelay $0x3  }
0x33: {  	p0 =	seq.s32 s10, $0x1;
	s10 =	sld [smem:$0x3FB5];
	_ =	sdelay $0x3  }
0x34: {  	[smem:$0x3FB5] =	sst s10  }
0x35: {  	s10 =	sld [smem:$0x3FB4];
	_ =	sdelay $0x3  }
0x36: {  	p1 =	seq.s32 s10, $0x1;
	s10 =	sld [smem:$0x3FB5];
	_ =	sdelay $0x3  }
0x37: {  	[smem:$0x3FB5] =	sst s10  }
0x38: {  	s10 =	sld [smem:$0x3FB6]  }
0x39: {  	_ = 	snop;
	(pc) =	sbr.ind lr, $3  }
0x3a: {  	_ = 	snop  }
0x3b: {  	_ = 	snop  }
0x3c: {  	p2 =	seq.s32 s10, $0x1;
	s10 =	sld [smem:$0x3FB5]  }
0x3d: {  	_ =	shalt  }
0x3e: {  	_ =	shalt  }
0x3f: {  	_ =	shalt  }
0x40: {  	_ =	shalt  }
0x41: {  	_ =	shalt  }
0x42: {  	_ =	shalt  }
0x43: {  	_ =	shalt  }
0x44: {  	_ =	shalt  }
0x45: {  	_ =	shalt  }
0x46: {  	_ =	shalt  }
0x47: {  	_ =	shalt  }
0x48: {  	_ =	shalt  }
0x49: {  	_ =	shalt  }
0x4a: {  	_ =	shalt  }
0x4b: {  	_ =	shalt  }
0x4c: {  	_ =	shalt  }
0x4d: {  	_ =	shalt  }
0x4e: {  	_ =	shalt  }
0x4f: {  	_ =	shalt  }
0x50: {  	_ =	shalt  }
0x51: {  	_ =	shalt  }
0x52: {  	_ =	shalt  }
0x53: {  	_ =	shalt  }
0x54: {  	_ =	shalt  }
0x55: {  	_ =	shalt  }
0x56: {  	_ =	shalt  }
0x57: {  	_ =	shalt  }
0x58: {  	_ =	shalt  }
0x59: {  	_ =	shalt  }
0x5a: {  	_ =	shalt  }
0x5b: {  	_ =	shalt  }
0x5c: {  	_ =	shalt  }
0x5d: {  	_ =	shalt  }
0x5e: {  	_ =	shalt  }
0x5f: {  	_ =	shalt  }
0x60: {  	_ =	shalt  }
0x61: {  	_ =	shalt  }
0x62: {  	_ =	shalt  }
0x63: {  	_ =	shalt  }
0x64: {  	_ =	shalt  }
0x65: {  	_ =	shalt  }
0x66: {  	_ =	shalt  }
0x67: {  	_ =	shalt  }
0x68: {  	_ =	shalt  }
0x69: {  	_ =	shalt  }
0x6a: {  	_ =	shalt  }
0x6b: {  	_ =	shalt  }
0x6c: {  	_ =	shalt  }
0x6d: {  	_ =	shalt  }
0x6e: {  	_ =	shalt  }
0x6f: {  	_ =	shalt  }
0x70: {  	_ =	shalt  }
0x71: {  	_ =	shalt  }
0x72: {  	_ =	shalt  }
0x73: {  	_ =	shalt  }
0x74: {  	_ =	shalt  }
0x75: {  	_ =	shalt  }
0x76: {  	_ =	shalt  }
0x77: {  	_ =	shalt  }
0x78: {  	_ =	shalt  }
0x79: {  	_ =	shalt  }
0x7a: {  	_ =	shalt  }
0x7b: {  	_ =	shalt  }
0x7c: {  	_ =	shalt  }
0x7d: {  	_ =	shalt  }
0x7e: {  	_ =	shalt  }
0x7f: {  	_ =	shalt  }
0x80: {  	_ =	shalt  }
0x81: {  	_ =	shalt  }
0x82: {  	_ =	shalt  }
0x83: {  	_ =	shalt  }
0x84: {  	_ =	shalt  }
0x85: {  	_ =	shalt  }
0x86: {  	_ =	shalt  }
0x87: {  	_ =	shalt  }
.Lfunc_end0:
.L_simem_size_0:
called_computation_lowered:
.L_overlay_start_0:
0x88: {  	s2 =	sld [smem:$0x3FD9]  }
0x89: {  	s3 =	sld [smem:$0x3FFE];
	_ =	sdelay $0x1  }
0x8a: {  	s1 =	srdreg.scid  }
0x8b: {  	s0 =	sand.u32 $0x1, s1  }
0x8c: {  	s14 =	sshll.u32 s0, $0xA;
	s2 =	sadd.s32 s3, s2  }
0x8d: {  	s2 =	sadd.s32 s2, s14  }
0x8e: {  	[smem:$0x3FC1] =	sst s2  }
0x8f: {  	_ = 	snop  }
0x90: {  	s2 =	sld [smem:$0x3FD0];
	_ =	sdelay $0x2  }
0x91: {  	s15 =	simm.s32 $0xA;
	s4 =	simm.s32 $0x10  }
0x92: {  	[smem:s4], [sflag:s15] =	dma.local [hbm:s2], $0x1  }
0x93: {  	_ =	swait.eq [sflag:s15], $0x1  }
0x94: {  	[sflag:s15] =	ssyncset.done $0x0  }
0x95: {  	s16 =	sld [smem:$0x14];
	[sflag:s15] =	ssyncadd.s32 $0xFFFFFFFF  }
0x96: {  	s17 =	sld [smem:$0x16];
	(tm) =	ssettm $0x1  }
0x97: {  	s18 =	sld [smem:$0x3FFB];
	_ =	sdelay $0x3  }
0x98: {  	_ =	strace s18  }
0x99: {  	s4 =	sld [smem:$0x3FFC];
	_ =	sdelay $0x3  }
0x9a: {  	_ =	strace s4  }
0x9b: {  	s4 =	sld [smem:$0x3FFD];
	_ =	sdelay $0x3  }
0x9c: {  	_ =	strace s4  }
0x9d: {  	_ =	strace $0x8FFFFFFF  }
0x9e: {  	s19 =	sld [smem:$0x3FDB];
	_ =	sdelay $0x1  }
0x9f: {  	s5 =	simm.s32 $_scs_section_size  }
0xa0: {  	s6 =	simm.s32 $_size__tile_overlayer_lowered;
	s7 =	simm.s32 $_tile_overlayer_lowered  }
0xa1: {  	s22 =	simm.s32 $0x1BFF;
	s21 =	sshll.u32 s7, $0x1;
	s4 =	sadd.s32 s5, s19  }
0xa2: {  	s8 =	simm.s32 $0x0;
	s20 =	sshll.u32 s6, $0x1;
	s6 =	sadd.s32 s21, s4  }
0xa3: {  	[timem:s8], [sflag:s22] =	dma.local [hbm:s6], s20  }
0xa4: {  	_ =	swait.ge [sflag:s22], s20  }
0xa5: {  	s5 =	ssub.s32 $0x0, s20;
	[sflag:s22] =	ssyncset.done $0x0  }
0xa6: {  	[sflag:s22] =	ssyncadd.s32 s5;
	_ =	sdelay $0x1  }
0xa7: {  	s23 =	simm.s32 $0x1B8B  }
0xa8: {  	_ =	swait.ge [sflag:s23], $0x1  }
0xa9: {  	[sflag:s23] =	ssyncset.done $0x0  }
0xaa: {  	s25 =	simm.s32 $0x1B8E;
	s24 =	sld [smem:$0x3FFE];
	[sflag:s23] =	ssyncadd.s32 $0xFFFFFFFF  }
0xab: {  	s26 =	simm.s32 $execute0_lowered;
	[smem:$0x3FD2] =	sst s25  }
0xac: {  	s6 =	sshll.u32 s26, $0x1;
	_ =	strace $0x80000046;
	[dreg:$0x1] =	wrdreg $0xFFFFFFFF  }
0xad: {  	s28 =	simm.s32 $_size_execute0_lowered;
	s4 =	sadd.s32 s4, s6;
	[dreg:$0x0] =	wrdreg $0x0  }
0xae: {  	s6 =	sshll.u32 s28, $0x1;
	[dreg:$0x2] =	wrdreg s4  }
0xaf: {  	[dreg:$0x3] =	wrdreg s6  }
0xb0: {  	[dreg:$0x4] =	wrdreg $0xC0  }
0xb1: {  	_ =	task [dreg:s8], $0x5FFFF  }
0xb2: {  	[dreg:$0x1] =	wrdreg $0xFFFFFFFF  }
0xb3: {  	[dreg:$0x0] =	wrdreg $0x60  }
0xb4: {  	[dreg:$0x2] =	wrdreg s24  }
0xb5: {  	[dreg:$0x3] =	wrdreg s16  }
0xb6: {  	[dreg:$0x4] =	wrdreg s17  }
0xb7: {  	[dreg:$0x5] =	wrdreg $0x9  }
0xb8: {  	_ =	task.clear_ibuf [dreg:s8], $0x6FFFF;
	_ =	strace $0x90000046  }
0xb9: {  	s29 =	simm.s32 $0x9;
	_ =	strace $0x80000048  }
0xba: {  	_ =	swait.ge [sflag:s29], $0x1  }
0xbb: {  	[sflag:s29] =	ssyncadd.s32 $0xFFFFFFFF  }
0xbc: {  	_ =	strace $0x90000048  }
0xbd: {  	_ =	sfence  }
0xbe: {  	s30 =	sld [smem:$0x0];
	_ =	sdelay $0x2  }
0xbf: {  	s31 =	sshll.u32 s1, $0xD;
	s1 =	sshrl.u32 s1, $0x2  }
0xc0: {  	s3 =	sand.u32 $0x4000, s31;
	s1 =	sadd.s32 s1, s30  }
0xc1: {  	s0 =	sor.u32 s3, s0;
	s1 =	sshll.u32 s1, $0x11  }
0xc2: {  	s0 =	sor.u32 s1, s0  }
0xc3: {  	s0 =	sadd.s32 $0x8F2B, s0  }
0xc4: {  	[sflag:s0] =	ssyncadd.remote.s32 $0x1  }
0xc5: {  	_ =	sfence.sel $0xFFFF  }
0xc6: {  	[dreg:$0x0] =	wrdreg $0xFFFFFFFF;
	(pc) =	sbr.abs _section_cstart, $3  }
0xc7: {  	[dreg:$0x1] =	wrdreg $0xFFFFFFFF  }
0xc8: {  	_ =	task.clear_ibuf [dreg:s8], $0x2FFFF;
	_ =	strace $0x9FFFFFFF  }
0xc9: {  	(tm) =	ssettm $0x7FFFFFFF  }
tec
execute0_lowered:
.L_overlay_start_1:
0x0: {  	(tag) =	ssettag $0x1  }
0x1: {  	s0 =	rddreg [dreg:$0x0]  }
0x2: {  	s1 =	srdreg.scid;
	s4 =	rddreg [dreg:$0x1]  }
0x3: {  	s11 =	stileid.u32;
	s5 =	rddreg [dreg:$0x2]  }
0x4: {  	s14 =	simm.s32 $0x580;
	s31 =	simm.s32 $0x2;
	s15 =	simm.s32 $0xBD80  }
0x5: {  	s16 =	simm.s32 $0xC580;
	s17 =	simm.s32 $0xCD80;
	s18 =	simm.s32 $0xD580  }
0x6: {  	s19 =	simm.s32 $0xDD80;
	s20 =	simm.s32 $0xE580;
	s21 =	simm.s32 $0xED80  }
0x7: {  	s1 =	sand.u32 $0x1, s1;
	s2 =	sshll.u32 s11, $0x1;
	s11 =	smul.u32 $0x4B000, s11  }
0x8: {  	s6 =	sor.u32 s1, s2;
	s9 =	ssub.s32 $0x2, s1;
	s1 =	smul.u32 $0x25800, s1  }
0x9: {  	s28 =	simm.s32 $0x11D80;
	s29 =	simm.s32 $0x12580;
	s3 =	smul.u32 $0x4B0, s6  }
0xa: {  	s30 =	simm.s32 $0x12D80;
	s2 =	simm.s32 $0x0;
	s7 =	smul.u32 $0xA, s6  }
0xb: {  	[smem:$0x7FF] =	sst s2;
	s10 =	smul.u32 $0x2800, s6;
	s22 =	sshrl.u32 s9, $0x1  }
0xc: {  	s23 =	smul.u32 $0x14000, s6;
	s6 =	sadd.s32 $0x101700, s0;
	s5 =	sadd.s32 s11, s5  }
0xd: {  	s11 =	simm.s32 $0x13D80;
	_ =	strace $0x80000047;
	s9 =	ssub.s32 s9, s22  }
0xe: {  	s25 =	sadd.s32 s1, s5;
	s5 =	simm.s32 $0xA580;
	s1 =	simm.s32 $0x3  }
0xf: {  	s22 =	simm.s32 $0xF580;
	s8 =	sshrl.u32 s3, $0x3;
	s3 =	sadd.s32 $0x101600, s0  }
0x10: {  	s7 =	sadd.s32 s7, s0;
	s12 =	sshrl.u32 s23, $0x3;
	s26 =	smax.u32 s9, $0x1  }
0x11: {  	[dreg:$0x4] =	wrdreg s25;
	s9 =	simm.s32 $0x0;
	s23 =	simm.s32 $0xFD80  }
0x12: {  	s25 =	simm.s32 $0x10D80;
	s8 =	sadd.s32 s8, s0;
	s7 =	sadd.s32 $0x201600, s7  }
0x13: {  	s24 =	sadd.s32 s4, s12;
	s4 =	sadd.s32 s4, s10;
	[dreg:$0x9] =	wrdreg s26  }
0x14: {  	s26 =	simm.s32 $0x11580;
	s10 =	simm.s32 $0x13580;
	[dreg:$0x5] =	wrdreg s7  }
0x15: {  	v2 =	vlaneseq.u32;
	s8 =	sadd.s32 $0x201800, s8;
	s7 =	sadd.s32 $0x101800, s0;
	[dreg:$0x7] =	wrdreg s4  }
0x16: {  	vm0 =	vmmov $0xffff;
	v1 =	vshrl.u32 v2, $0x3;
	[dreg:$0x6] =	wrdreg s8;
	s8 =	sadd.s32 $0x101900, s0;
	s0 =	sadd.s32 $0x1400, s24  }
0x17: {  	v0 =	vand.u32 $0x7, v2;
	v2 =	vor.u32 $0x8, v2;
	v1 =	vmul.u32 $0x8, v1;
	s4 =	simm.s32 $0x1;
	s24 =	simm.s32 $0x10580;
	[dreg:$0x8] =	wrdreg s0  }
.LBB2_1:
0x18: {  	[dreg:$0xa] =	wrdreg s9  }
0x19: {  	s0 =	rddreg [dreg:$0x5];
	s9 =	simm.s32 $0x4  }
0x1a: {  	[tilespmem:s2], [sflag:$0x4] =	stream.linear.gather [hbm4b:s0+s2], $0x50, $0x38;
	[tilespmem:$0x14580] =	vst v63  }
0x1b: {  	_ =	swait.ge [sflag:s9], $0x50  }
0x1c: {  	[sflag:s9] =	ssyncset.done $0x0  }
0x1d: {  	s13 =	simm.s32 $0x80;
	s12 =	rddreg [dreg:$0x6];
	[sflag:s9] =	ssyncadd.s32 $0xFFFFFFB0  }
0x1e: {  	[tilespmem:s13], [sflag:$0x4] =	stream.linear.gather [hbm4b:s12+s2], $0x4B0, $0x38;
	[tilespmem:$0x14580] =	vst v63  }
0x1f: {  	_ =	swait.ge [sflag:s9], $0x4B0  }
0x20: {  	[sflag:s9] =	ssyncset.done $0x0  }
0x21: {  	[sflag:s9] =	ssyncadd.s32 $0xFFFFFB50  }
0x22: {  	v3 =	vld [tilespmem:$0x0];
	_ =	sdelay $0x4  }
0x23: {  	v4 =	vshll.u32 v3, $0x3  }
0x24: {  	v3 =	vand.u32 $0x7, v3;
	v4 =	vand.u32 $0xFFFFFFC0, v4  }
0x25: {  	v3 =	vor.u32 v3, v4  }
0x26: {  	v4 =	vperm.xlane v3, v0;
	_ =	sdelay $0x1  }
0x27: {  	v4 =	vadd.s32 v1, v4;
	_ =	sdelay $0x4  }
0x28: {  	[tilespmem:s14], [sflag:$0x1] =	stream.indirect_vreg.gather [hbm4b:s3+s2], $0x80, v4, vm0, $0xb8;
	[tilespmem:$0x14580] =	vst v63  }
0x29: {  	s12 =	simm.s32 $0xD80;
	v3 =	vperm.xlane v3, v2  }
0x2a: {  	[tilespmem:s12], [sflag:$0x1] =	stream.indirect_vreg.gather [hbm4b:s6+s2], $0x80, v4, vm0, $0xb8;
	[tilespmem:$0x14580] =	vst v63  }
0x2b: {  	s13 =	simm.s32 $0x1580;
	v3 =	vadd.s32 v1, v3  }
0x2c: {  	[tilespmem:s13], [sflag:$0x1] =	stream.indirect_vreg.gather [hbm4b:s7+s2], $0x80, v4, vm0, $0xb8;
	[tilespmem:$0x14580] =	vst v63  }
0x2d: {  	s9 =	simm.s32 $0x1D80  }
0x2e: {  	[tilespmem:s9], [sflag:$0x1] =	stream.indirect_vreg.gather [hbm4b:s8+s2], $0x80, v4, vm0, $0xb8;
	[tilespmem:$0x14580] =	vst v63  }
0x2f: {  	s12 =	simm.s32 $0x2580  }
0x30: {  	[tilespmem:s12], [sflag:$0x1] =	stream.indirect_vreg.gather [hbm4b:s3+s2], $0x80, v3, vm0, $0xb8;
	[tilespmem:$0x14580] =	vst v63  }
0x31: {  	s13 =	simm.s32 $0x2D80  }
0x32: {  	[tilespmem:s13], [sflag:$0x1] =	stream.indirect_vreg.gather [hbm4b:s6+s2], $0x80, v3, vm0, $0xb8;
	[tilespmem:$0x14580] =	vst v63  }
0x33: {  	s9 =	simm.s32 $0x3580  }
0x34: {  	[tilespmem:s9], [sflag:$0x1] =	stream.indirect_vreg.gather [hbm4b:s7+s2], $0x80, v3, vm0, $0xb8;
	[tilespmem:$0x14580] =	vst v63  }
0x35: {  	s12 =	simm.s32 $0x3D80  }
0x36: {  	[tilespmem:s12], [sflag:$0x1] =	stream.indirect_vreg.gather [hbm4b:s8+s2], $0x80, v3, vm0, $0xb8;
	[tilespmem:$0x14580] =	vst v63  }
0x37: {  	v3 =	vld [tilespmem:$0x10];
	_ =	sdelay $0x4  }
0x38: {  	v59 =	vshll.u32 v3, $0x3  }
0x39: {  	v3 =	vand.u32 $0x7, v3;
	v4 =	vand.u32 $0xFFFFFFC0, v59  }
0x3a: {  	v3 =	vor.u32 v3, v4  }
0x3b: {  	v4 =	vperm.xlane v3, v0;
	_ =	sdelay $0x1  }
0x3c: {  	v4 =	vadd.s32 v1, v4;
	_ =	sdelay $0x3  }
0x3d: {  	s13 =	simm.s32 $0x4580  }
0x3e: {  	[tilespmem:s13], [sflag:$0x1] =	stream.indirect_vreg.gather [hbm4b:s3+s2], $0x80, v4, vm0, $0xb8;
	[tilespmem:$0x14580] =	vst v63  }
0x3f: {  	s9 =	simm.s32 $0x4D80;
	v3 =	vperm.xlane v3, v2  }
0x40: {  	[tilespmem:s9], [sflag:$0x1] =	stream.indirect_vreg.gather [hbm4b:s6+s2], $0x80, v4, vm0, $0xb8;
	[tilespmem:$0x14580] =	vst v63  }
0x41: {  	s12 =	simm.s32 $0x5580;
	v3 =	vadd.s32 v1, v3  }
0x42: {  	[tilespmem:s12], [sflag:$0x1] =	stream.indirect_vreg.gather [hbm4b:s7+s2], $0x80, v4, vm0, $0xb8;
	[tilespmem:$0x14580] =	vst v63  }
0x43: {  	s13 =	simm.s32 $0x5D80  }
0x44: {  	[tilespmem:s13], [sflag:$0x1] =	stream.indirect_vreg.gather [hbm4b:s8+s2], $0x80, v4, vm0, $0xb8;
	[tilespmem:$0x14580] =	vst v63  }
0x45: {  	s9 =	simm.s32 $0x6580  }
0x46: {  	[tilespmem:s9], [sflag:$0x1] =	stream.indirect_vreg.gather [hbm4b:s3+s2], $0x80, v3, vm0, $0xb8;
	[tilespmem:$0x14580] =	vst v63  }
0x47: {  	s12 =	simm.s32 $0x6D80  }
0x48: {  	[tilespmem:s12], [sflag:$0x1] =	stream.indirect_vreg.gather [hbm4b:s6+s2], $0x80, v3, vm0, $0xb8;
	[tilespmem:$0x14580] =	vst v63  }
0x49: {  	s13 =	simm.s32 $0x7580  }
0x4a: {  	[tilespmem:s13], [sflag:$0x1] =	stream.indirect_vreg.gather [hbm4b:s7+s2], $0x80, v3, vm0, $0xb8;
	[tilespmem:$0x14580] =	vst v63  }
0x4b: {  	s9 =	simm.s32 $0x7D80  }
0x4c: {  	[tilespmem:s9], [sflag:$0x1] =	stream.indirect_vreg.gather [hbm4b:s8+s2], $0x80, v3, vm0, $0xb8;
	[tilespmem:$0x14580] =	vst v63  }
0x4d: {  	v3 =	vld.msk [tilespmem:$0x20], $0xff;
	_ =	sdelay $0x4  }
0x4e: {  	v60 =	vshll.u32 v3, $0x3  }
0x4f: {  	v3 =	vand.u32 $0x7, v3;
	v4 =	vand.u32 $0xFFFFFFC0, v60  }
0x50: {  	v3 =	vor.u32 v3, v4  }
0x51: {  	v3 =	vperm.xlane v3, v0;
	_ =	sdelay $0x1  }
0x52: {  	v3 =	vadd.s32 v1, v3;
	_ =	sdelay $0x3  }
0x53: {  	s12 =	simm.s32 $0x8580  }
0x54: {  	[tilespmem:s12], [sflag:$0x1] =	stream.indirect_vreg.gather [hbm4b:s3+s2], $0x80, v3, vm0, $0xb8;
	[tilespmem:$0x14580] =	vst v63  }
0x55: {  	s13 =	simm.s32 $0x8D80  }
0x56: {  	[tilespmem:s13], [sflag:$0x1] =	stream.indirect_vreg.gather [hbm4b:s6+s2], $0x80, v3, vm0, $0xb8;
	[tilespmem:$0x14580] =	vst v63  }
0x57: {  	s9 =	simm.s32 $0x9580  }
0x58: {  	[tilespmem:s9], [sflag:$0x1] =	stream.indirect_vreg.gather [hbm4b:s7+s2], $0x80, v3, vm0, $0xb8;
	[tilespmem:$0x14580] =	vst v63  }
0x59: {  	s12 =	simm.s32 $0x9D80  }
0x5a: {  	[tilespmem:s12], [sflag:$0x1] =	stream.indirect_vreg.gather [hbm4b:s8+s2], $0x80, v3, vm0, $0xb8;
	[tilespmem:$0x14580] =	vst v63  }
0x5b: {  	_ =	swait.ge [sflag:s4], $0xA000  }
0x5c: {  	[sflag:s4] =	ssyncset.done $0x0  }
0x5d: {  	s13 =	rddreg [dreg:$0x7];
	[sflag:s4] =	ssyncadd.s32 $0xFFFF6000  }
0x5e: {  	[hbm4b:s13+s2] =	stream.linear.scatter [tilespmem:s14], [sflag:$0x2], $0xA000, $0x38;
	[tilespmem:$0x14580] =	vst v63  }
0x5f: {  	v3 =	vld [tilespmem:$0x28];
	_ =	sdelay $0x4  }
0x60: {  	v61 =	vshll.u32 v3, $0x3  }
0x61: {  	v3 =	vand.u32 $0x7, v3;
	v4 =	vand.u32 $0xFFFFFFC0, v61  }
0x62: {  	v3 =	vor.u32 v3, v4  }
0x63: {  	v4 =	vperm.xlane v3, v0;
	_ =	sdelay $0x1  }
0x64: {  	v4 =	vadd.s32 v1, v4;
	_ =	sdelay $0x4  }
0x65: {  	[tilespmem:s5], [sflag:$0x1] =	stream.indirect_vreg.gather [hbm4b:s3+s2], $0x80, v4, vm0, $0xb8;
	[tilespmem:$0x14580] =	vst v63  }
0x66: {  	s9 =	simm.s32 $0xAD80;
	v3 =	vperm.xlane v3, v2  }
0x67: {  	[tilespmem:s9], [sflag:$0x1] =	stream.indirect_vreg.gather [hbm4b:s6+s2], $0x80, v4, vm0, $0xb8;
	[tilespmem:$0x14580] =	vst v63  }
0x68: {  	s12 =	simm.s32 $0xB580;
	v3 =	vadd.s32 v1, v3  }
0x69: {  	[tilespmem:s12], [sflag:$0x1] =	stream.indirect_vreg.gather [hbm4b:s7+s2], $0x80, v4, vm0, $0xb8;
	[tilespmem:$0x14580] =	vst v63  }
0x6a: {  	_ = 	snop  }
0x6b: {  	[tilespmem:s15], [sflag:$0x1] =	stream.indirect_vreg.gather [hbm4b:s8+s2], $0x80, v4, vm0, $0xb8;
	[tilespmem:$0x14580] =	vst v63  }
0x6c: {  	_ = 	snop  }
0x6d: {  	[tilespmem:s16], [sflag:$0x1] =	stream.indirect_vreg.gather [hbm4b:s3+s2], $0x80, v3, vm0, $0xb8;
	[tilespmem:$0x14580] =	vst v63  }
0x6e: {  	_ = 	snop  }
0x6f: {  	[tilespmem:s17], [sflag:$0x1] =	stream.indirect_vreg.gather [hbm4b:s6+s2], $0x80, v3, vm0, $0xb8;
	[tilespmem:$0x14580] =	vst v63  }
0x70: {  	_ = 	snop  }
0x71: {  	[tilespmem:s18], [sflag:$0x1] =	stream.indirect_vreg.gather [hbm4b:s7+s2], $0x80, v3, vm0, $0xb8;
	[tilespmem:$0x14580] =	vst v63  }
0x72: {  	_ = 	snop  }
0x73: {  	[tilespmem:s19], [sflag:$0x1] =	stream.indirect_vreg.gather [hbm4b:s8+s2], $0x80, v3, vm0, $0xb8;
	[tilespmem:$0x14580] =	vst v63  }
0x74: {  	v3 =	vld [tilespmem:$0x38];
	_ =	sdelay $0x4  }
0x75: {  	v62 =	vshll.u32 v3, $0x3  }
0x76: {  	v3 =	vand.u32 $0x7, v3;
	v4 =	vand.u32 $0xFFFFFFC0, v62  }
0x77: {  	v3 =	vor.u32 v3, v4  }
0x78: {  	v4 =	vperm.xlane v3, v0;
	_ =	sdelay $0x1  }
0x79: {  	v4 =	vadd.s32 v1, v4;
	_ =	sdelay $0x4  }
0x7a: {  	[tilespmem:s20], [sflag:$0x1] =	stream.indirect_vreg.gather [hbm4b:s3+s2], $0x80, v4, vm0, $0xb8;
	[tilespmem:$0x14580] =	vst v63  }
0x7b: {  	v3 =	vperm.xlane v3, v2  }
0x7c: {  	[tilespmem:s21], [sflag:$0x1] =	stream.indirect_vreg.gather [hbm4b:s6+s2], $0x80, v4, vm0, $0xb8;
	[tilespmem:$0x14580] =	vst v63  }
0x7d: {  	v3 =	vadd.s32 v1, v3  }
0x7e: {  	[tilespmem:s22], [sflag:$0x1] =	stream.indirect_vreg.gather [hbm4b:s7+s2], $0x80, v4, vm0, $0xb8;
	[tilespmem:$0x14580] =	vst v63  }
0x7f: {  	_ = 	snop  }
0x80: {  	[tilespmem:s23], [sflag:$0x1] =	stream.indirect_vreg.gather [hbm4b:s8+s2], $0x80, v4, vm0, $0xb8;
	[tilespmem:$0x14580] =	vst v63  }
0x81: {  	_ = 	snop  }
0x82: {  	[tilespmem:s24], [sflag:$0x1] =	stream.indirect_vreg.gather [hbm4b:s3+s2], $0x80, v3, vm0, $0xb8;
	[tilespmem:$0x14580] =	vst v63  }
0x83: {  	_ = 	snop  }
0x84: {  	[tilespmem:s25], [sflag:$0x1] =	stream.indirect_vreg.gather [hbm4b:s6+s2], $0x80, v3, vm0, $0xb8;
	[tilespmem:$0x14580] =	vst v63  }
0x85: {  	_ = 	snop  }
0x86: {  	[tilespmem:s26], [sflag:$0x1] =	stream.indirect_vreg.gather [hbm4b:s7+s2], $0x80, v3, vm0, $0xb8;
	[tilespmem:$0x14580] =	vst v63  }
0x87: {  	_ = 	snop  }
0x88: {  	[tilespmem:s28], [sflag:$0x1] =	stream.indirect_vreg.gather [hbm4b:s8+s2], $0x80, v3, vm0, $0xb8;
	[tilespmem:$0x14580] =	vst v63  }
0x89: {  	v3 =	vld.msk [tilespmem:$0x48], $0xff;
	_ =	sdelay $0x4  }
0x8a: {  	v63 =	vshll.u32 v3, $0x3  }
0x8b: {  	v3 =	vand.u32 $0x7, v3;
	v4 =	vand.u32 $0xFFFFFFC0, v63  }
0x8c: {  	v3 =	vor.u32 v3, v4  }
0x8d: {  	v3 =	vperm.xlane v3, v0;
	_ =	sdelay $0x1  }
0x8e: {  	v3 =	vadd.s32 v1, v3;
	_ =	sdelay $0x4  }
0x8f: {  	[tilespmem:s29], [sflag:$0x1] =	stream.indirect_vreg.gather [hbm4b:s3+s2], $0x80, v3, vm0, $0xb8;
	[tilespmem:$0x14580] =	vst v63  }
0x90: {  	_ = 	snop  }
0x91: {  	[tilespmem:s30], [sflag:$0x1] =	stream.indirect_vreg.gather [hbm4b:s6+s2], $0x80, v3, vm0, $0xb8;
	[tilespmem:$0x14580] =	vst v63  }
0x92: {  	_ = 	snop  }
0x93: {  	[tilespmem:s10], [sflag:$0x1] =	stream.indirect_vreg.gather [hbm4b:s7+s2], $0x80, v3, vm0, $0xb8;
	[tilespmem:$0x14580] =	vst v63  }
0x94: {  	_ = 	snop  }
0x95: {  	[tilespmem:s11], [sflag:$0x1] =	stream.indirect_vreg.gather [hbm4b:s8+s2], $0x80, v3, vm0, $0xb8;
	[tilespmem:$0x14580] =	vst v63  }
0x96: {  	_ =	swait.ge [sflag:s4], $0xA000  }
0x97: {  	[sflag:s4] =	ssyncset.done $0x0  }
0x98: {  	s13 =	rddreg [dreg:$0x8];
	[sflag:s4] =	ssyncadd.s32 $0xFFFF6000  }
0x99: {  	[hbm4b:s13+s2] =	stream.linear.scatter [tilespmem:s5], [sflag:$0x3], $0xA000, $0x38;
	[tilespmem:$0x14580] =	vst v63  }
0x9a: {  	s0 =	simm.s32 $0xA8;
	s13 =	simm.s32 $0x0  }
.LBB2_2:
0x9b: {  	_ =	swait.ge [sflag:s31], $0xA000  }
0x9c: {  	[sflag:s31] =	ssyncset.done $0x0  }
0x9d: {  	[sflag:s31] =	ssyncadd.s32 $0xFFFF6000  }
0x9e: {  	v3 =	vld [tilespmem:s0+$0xFFFFFFD8];
	_ =	sdelay $0x4  }
0x9f: {  	v4 =	vshll.u32 v3, $0x3  }
0xa0: {  	v3 =	vand.u32 $0x7, v3;
	v4 =	vand.u32 $0xFFFFFFC0, v4  }
0xa1: {  	v3 =	vor.u32 v3, v4  }
0xa2: {  	v4 =	vperm.xlane v3, v0;
	_ =	sdelay $0x1  }
0xa3: {  	v4 =	vadd.s32 v1, v4;
	_ =	sdelay $0x4  }
0xa4: {  	[tilespmem:s14], [sflag:$0x1] =	stream.indirect_vreg.gather [hbm4b:s3+s2], $0x80, v4, vm0, $0xb8;
	[tilespmem:$0x14580] =	vst v63  }
0xa5: {  	s9 =	simm.s32 $0xD80;
	v3 =	vperm.xlane v3, v2  }
0xa6: {  	[tilespmem:s9], [sflag:$0x1] =	stream.indirect_vreg.gather [hbm4b:s6+s2], $0x80, v4, vm0, $0xb8;
	[tilespmem:$0x14580] =	vst v63  }
0xa7: {  	s12 =	simm.s32 $0x1580;
	v3 =	vadd.s32 v1, v3  }
0xa8: {  	[tilespmem:s12], [sflag:$0x1] =	stream.indirect_vreg.gather [hbm4b:s7+s2], $0x80, v4, vm0, $0xb8;
	[tilespmem:$0x14580] =	vst v63  }
0xa9: {  	s12 =	simm.s32 $0x1D80  }
0xaa: {  	[tilespmem:s12], [sflag:$0x1] =	stream.indirect_vreg.gather [hbm4b:s8+s2], $0x80, v4, vm0, $0xb8;
	[tilespmem:$0x14580] =	vst v63  }
0xab: {  	s12 =	simm.s32 $0x2580  }
0xac: {  	[tilespmem:s12], [sflag:$0x1] =	stream.indirect_vreg.gather [hbm4b:s3+s2], $0x80, v3, vm0, $0xb8;
	[tilespmem:$0x14580] =	vst v63  }
0xad: {  	s12 =	simm.s32 $0x2D80  }
0xae: {  	[tilespmem:s12], [sflag:$0x1] =	stream.indirect_vreg.gather [hbm4b:s6+s2], $0x80, v3, vm0, $0xb8;
	[tilespmem:$0x14580] =	vst v63  }
0xaf: {  	s12 =	simm.s32 $0x3580  }
0xb0: {  	[tilespmem:s12], [sflag:$0x1] =	stream.indirect_vreg.gather [hbm4b:s7+s2], $0x80, v3, vm0, $0xb8;
	[tilespmem:$0x14580] =	vst v63  }
0xb1: {  	s12 =	simm.s32 $0x3D80  }
0xb2: {  	[tilespmem:s12], [sflag:$0x1] =	stream.indirect_vreg.gather [hbm4b:s8+s2], $0x80, v3, vm0, $0xb8;
	[tilespmem:$0x14580] =	vst v63  }
0xb3: {  	v3 =	vld [tilespmem:s0+$0xFFFFFFE8];
	_ =	sdelay $0x4  }
0xb4: {  	v59 =	vshll.u32 v3, $0x3  }
0xb5: {  	v3 =	vand.u32 $0x7, v3;
	v4 =	vand.u32 $0xFFFFFFC0, v59  }
0xb6: {  	v3 =	vor.u32 v3, v4  }
0xb7: {  	v4 =	vperm.xlane v3, v0;
	_ =	sdelay $0x1  }
0xb8: {  	v4 =	vadd.s32 v1, v4;
	_ =	sdelay $0x3  }
0xb9: {  	s12 =	simm.s32 $0x4580  }
0xba: {  	[tilespmem:s12], [sflag:$0x1] =	stream.indirect_vreg.gather [hbm4b:s3+s2], $0x80, v4, vm0, $0xb8;
	[tilespmem:$0x14580] =	vst v63  }
0xbb: {  	v3 =	vperm.xlane v3, v2;
	s12 =	simm.s32 $0x4D80  }
0xbc: {  	[tilespmem:s12], [sflag:$0x1] =	stream.indirect_vreg.gather [hbm4b:s6+s2], $0x80, v4, vm0, $0xb8;
	[tilespmem:$0x14580] =	vst v63  }
0xbd: {  	v3 =	vadd.s32 v1, v3;
	s12 =	simm.s32 $0x5580  }
0xbe: {  	[tilespmem:s12], [sflag:$0x1] =	stream.indirect_vreg.gather [hbm4b:s7+s2], $0x80, v4, vm0, $0xb8;
	[tilespmem:$0x14580] =	vst v63  }
0xbf: {  	s12 =	simm.s32 $0x5D80  }
0xc0: {  	[tilespmem:s12], [sflag:$0x1] =	stream.indirect_vreg.gather [hbm4b:s8+s2], $0x80, v4, vm0, $0xb8;
	[tilespmem:$0x14580] =	vst v63  }
0xc1: {  	s12 =	simm.s32 $0x6580  }
0xc2: {  	[tilespmem:s12], [sflag:$0x1] =	stream.indirect_vreg.gather [hbm4b:s3+s2], $0x80, v3, vm0, $0xb8;
	[tilespmem:$0x14580] =	vst v63  }
0xc3: {  	s12 =	simm.s32 $0x6D80  }
0xc4: {  	[tilespmem:s12], [sflag:$0x1] =	stream.indirect_vreg.gather [hbm4b:s6+s2], $0x80, v3, vm0, $0xb8;
	[tilespmem:$0x14580] =	vst v63  }
0xc5: {  	s12 =	simm.s32 $0x7580  }
0xc6: {  	[tilespmem:s12], [sflag:$0x1] =	stream.indirect_vreg.gather [hbm4b:s7+s2], $0x80, v3, vm0, $0xb8;
	[tilespmem:$0x14580] =	vst v63  }
0xc7: {  	s12 =	simm.s32 $0x7D80  }
0xc8: {  	[tilespmem:s12], [sflag:$0x1] =	stream.indirect_vreg.gather [hbm4b:s8+s2], $0x80, v3, vm0, $0xb8;
	[tilespmem:$0x14580] =	vst v63  }
0xc9: {  	v3 =	vld.msk [tilespmem:s0+$0xFFFFFFF8], $0xff;
	_ =	sdelay $0x4  }
0xca: {  	v60 =	vshll.u32 v3, $0x3  }
0xcb: {  	v3 =	vand.u32 $0x7, v3;
	v4 =	vand.u32 $0xFFFFFFC0, v60  }
0xcc: {  	v3 =	vor.u32 v3, v4  }
0xcd: {  	v3 =	vperm.xlane v3, v0;
	_ =	sdelay $0x1  }
0xce: {  	v3 =	vadd.s32 v1, v3;
	_ =	sdelay $0x3  }
0xcf: {  	s12 =	simm.s32 $0x8580  }
0xd0: {  	[tilespmem:s12], [sflag:$0x1] =	stream.indirect_vreg.gather [hbm4b:s3+s2], $0x80, v3, vm0, $0xb8;
	[tilespmem:$0x14580] =	vst v63  }
0xd1: {  	s12 =	simm.s32 $0x8D80  }
0xd2: {  	[tilespmem:s12], [sflag:$0x1] =	stream.indirect_vreg.gather [hbm4b:s6+s2], $0x80, v3, vm0, $0xb8;
	[tilespmem:$0x14580] =	vst v63  }
0xd3: {  	s12 =	simm.s32 $0x9580  }
0xd4: {  	[tilespmem:s12], [sflag:$0x1] =	stream.indirect_vreg.gather [hbm4b:s7+s2], $0x80, v3, vm0, $0xb8;
	[tilespmem:$0x14580] =	vst v63  }
0xd5: {  	s12 =	simm.s32 $0x9D80  }
0xd6: {  	[tilespmem:s12], [sflag:$0x1] =	stream.indirect_vreg.gather [hbm4b:s8+s2], $0x80, v3, vm0, $0xb8;
	[tilespmem:$0x14580] =	vst v63  }
0xd7: {  	_ =	swait.ge [sflag:s4], $0xA000  }
0xd8: {  	s12 =	rddreg [dreg:$0x4];
	[sflag:s4] =	ssyncset.done $0x0  }
0xd9: {  	[sflag:s4] =	ssyncadd.s32 $0xFFFF6000;
	s9 =	sadd.s32 s13, s12  }
0xda: {  	[hbm4b:s9+s2] =	stream.linear.scatter [tilespmem:s14], [sflag:$0x2], $0xA000, $0x38;
	[tilespmem:$0x14580] =	vst v63  }
0xdb: {  	_ =	swait.ge [sflag:s1], $0xA000  }
0xdc: {  	[sflag:s1] =	ssyncset.done $0x0  }
0xdd: {  	[sflag:s1] =	ssyncadd.s32 $0xFFFF6000  }
0xde: {  	v3 =	vld [tilespmem:s0+$0x0];
	_ =	sdelay $0x4  }
0xdf: {  	v61 =	vshll.u32 v3, $0x3  }
0xe0: {  	v3 =	vand.u32 $0x7, v3;
	v4 =	vand.u32 $0xFFFFFFC0, v61  }
0xe1: {  	v3 =	vor.u32 v3, v4  }
0xe2: {  	v4 =	vperm.xlane v3, v0;
	_ =	sdelay $0x1  }
0xe3: {  	v4 =	vadd.s32 v1, v4;
	_ =	sdelay $0x4  }
0xe4: {  	[tilespmem:s5], [sflag:$0x1] =	stream.indirect_vreg.gather [hbm4b:s3+s2], $0x80, v4, vm0, $0xb8;
	[tilespmem:$0x14580] =	vst v63  }
0xe5: {  	s12 =	simm.s32 $0xAD80;
	v3 =	vperm.xlane v3, v2  }
0xe6: {  	[tilespmem:s12], [sflag:$0x1] =	stream.indirect_vreg.gather [hbm4b:s6+s2], $0x80, v4, vm0, $0xb8;
	[tilespmem:$0x14580] =	vst v63  }
0xe7: {  	v3 =	vadd.s32 v1, v3;
	s12 =	simm.s32 $0xB580  }
0xe8: {  	[tilespmem:s12], [sflag:$0x1] =	stream.indirect_vreg.gather [hbm4b:s7+s2], $0x80, v4, vm0, $0xb8;
	[tilespmem:$0x14580] =	vst v63  }
0xe9: {  	_ = 	snop  }
0xea: {  	[tilespmem:s15], [sflag:$0x1] =	stream.indirect_vreg.gather [hbm4b:s8+s2], $0x80, v4, vm0, $0xb8;
	[tilespmem:$0x14580] =	vst v63  }
0xeb: {  	_ = 	snop  }
0xec: {  	[tilespmem:s16], [sflag:$0x1] =	stream.indirect_vreg.gather [hbm4b:s3+s2], $0x80, v3, vm0, $0xb8;
	[tilespmem:$0x14580] =	vst v63  }
0xed: {  	_ = 	snop  }
0xee: {  	[tilespmem:s17], [sflag:$0x1] =	stream.indirect_vreg.gather [hbm4b:s6+s2], $0x80, v3, vm0, $0xb8;
	[tilespmem:$0x14580] =	vst v63  }
0xef: {  	_ = 	snop  }
0xf0: {  	[tilespmem:s18], [sflag:$0x1] =	stream.indirect_vreg.gather [hbm4b:s7+s2], $0x80, v3, vm0, $0xb8;
	[tilespmem:$0x14580] =	vst v63  }
0xf1: {  	_ = 	snop  }
0xf2: {  	[tilespmem:s19], [sflag:$0x1] =	stream.indirect_vreg.gather [hbm4b:s8+s2], $0x80, v3, vm0, $0xb8;
	[tilespmem:$0x14580] =	vst v63  }
0xf3: {  	v3 =	vld [tilespmem:s0+$0x10];
	_ =	sdelay $0x4  }
0xf4: {  	v62 =	vshll.u32 v3, $0x3  }
0xf5: {  	v3 =	vand.u32 $0x7, v3;
	v4 =	vand.u32 $0xFFFFFFC0, v62  }
0xf6: {  	v3 =	vor.u32 v3, v4  }
0xf7: {  	v4 =	vperm.xlane v3, v0;
	_ =	sdelay $0x1  }
0xf8: {  	v4 =	vadd.s32 v1, v4;
	_ =	sdelay $0x4  }
0xf9: {  	[tilespmem:s20], [sflag:$0x1] =	stream.indirect_vreg.gather [hbm4b:s3+s2], $0x80, v4, vm0, $0xb8;
	[tilespmem:$0x14580] =	vst v63  }
0xfa: {  	v3 =	vperm.xlane v3, v2  }
0xfb: {  	[tilespmem:s21], [sflag:$0x1] =	stream.indirect_vreg.gather [hbm4b:s6+s2], $0x80, v4, vm0, $0xb8;
	[tilespmem:$0x14580] =	vst v63  }
0xfc: {  	v3 =	vadd.s32 v1, v3  }
0xfd: {  	[tilespmem:s22], [sflag:$0x1] =	stream.indirect_vreg.gather [hbm4b:s7+s2], $0x80, v4, vm0, $0xb8;
	[tilespmem:$0x14580] =	vst v63  }
0xfe: {  	_ = 	snop  }
0xff: {  	[tilespmem:s23], [sflag:$0x1] =	stream.indirect_vreg.gather [hbm4b:s8+s2], $0x80, v4, vm0, $0xb8;
	[tilespmem:$0x14580] =	vst v63  }
0x100: {  	_ = 	snop  }
0x101: {  	[tilespmem:s24], [sflag:$0x1] =	stream.indirect_vreg.gather [hbm4b:s3+s2], $0x80, v3, vm0, $0xb8;
	[tilespmem:$0x14580] =	vst v63  }
0x102: {  	_ = 	snop  }
0x103: {  	[tilespmem:s25], [sflag:$0x1] =	stream.indirect_vreg.gather [hbm4b:s6+s2], $0x80, v3, vm0, $0xb8;
	[tilespmem:$0x14580] =	vst v63  }
0x104: {  	_ = 	snop  }
0x105: {  	[tilespmem:s26], [sflag:$0x1] =	stream.indirect_vreg.gather [hbm4b:s7+s2], $0x80, v3, vm0, $0xb8;
	[tilespmem:$0x14580] =	vst v63  }
0x106: {  	_ = 	snop  }
0x107: {  	[tilespmem:s28], [sflag:$0x1] =	stream.indirect_vreg.gather [hbm4b:s8+s2], $0x80, v3, vm0, $0xb8;
	[tilespmem:$0x14580] =	vst v63  }
0x108: {  	v3 =	vld.msk [tilespmem:s0+$0x20], $0xff;
	_ =	sdelay $0x4  }
0x109: {  	v63 =	vshll.u32 v3, $0x3  }
0x10a: {  	v3 =	vand.u32 $0x7, v3;
	v4 =	vand.u32 $0xFFFFFFC0, v63  }
0x10b: {  	v3 =	vor.u32 v3, v4  }
0x10c: {  	v3 =	vperm.xlane v3, v0;
	_ =	sdelay $0x1  }
0x10d: {  	v3 =	vadd.s32 v1, v3;
	_ =	sdelay $0x4  }
0x10e: {  	[tilespmem:s29], [sflag:$0x1] =	stream.indirect_vreg.gather [hbm4b:s3+s2], $0x80, v3, vm0, $0xb8;
	[tilespmem:$0x14580] =	vst v63  }
0x10f: {  	_ = 	snop  }
0x110: {  	[tilespmem:s30], [sflag:$0x1] =	stream.indirect_vreg.gather [hbm4b:s6+s2], $0x80, v3, vm0, $0xb8;
	[tilespmem:$0x14580] =	vst v63  }
0x111: {  	_ = 	snop  }
0x112: {  	[tilespmem:s10], [sflag:$0x1] =	stream.indirect_vreg.gather [hbm4b:s7+s2], $0x80, v3, vm0, $0xb8;
	[tilespmem:$0x14580] =	vst v63  }
0x113: {  	p0 =	sne.s32 s13, $0x23000  }
0x114: {  	[tilespmem:s11], [sflag:$0x1] =	stream.indirect_vreg.gather [hbm4b:s8+s2], $0x80, v3, vm0, $0xb8;
	[tilespmem:$0x14580] =	vst v63  }
.Ltmp0:
0x115: {  	_ = 	snop;
	(pc) =	sbr.rel @p0 .LBB2_2-.Ltmp0, $4  }
0x116: {  	_ =	swait.ge [sflag:s4], $0xA000  }
0x117: {  	s13 =	sadd.s32 $0x2800, s13;
	[sflag:s4] =	ssyncset.done $0x0  }
0x118: {  	s9 =	sadd.s32 $0x1400, s9;
	s0 =	sadd.s32 $0x50, s0;
	[sflag:s4] =	ssyncadd.s32 $0xFFFF6000  }
0x119: {  	[hbm4b:s9+s2] =	stream.linear.scatter [tilespmem:s5], [sflag:$0x3], $0xA000, $0x38;
	[tilespmem:$0x14580] =	vst v63  }
0x11a: {  	_ =	swait.ge [sflag:s31], $0xA000  }
0x11b: {  	[sflag:s31] =	ssyncset.done $0x0  }
0x11c: {  	[sflag:s31] =	ssyncadd.s32 $0xFFFF6000  }
0x11d: {  	_ =	swait.ge [sflag:s1], $0xA000  }
0x11e: {  	s9 =	rddreg [dreg:$0xa]  }
0x11f: {  	s0 =	rddreg [dreg:$0x9];
	s9 =	sadd.s32 $0x1, s9  }
0x120: {  	p0 =	sne.s32 s9, s0  }
.Ltmp1:
0x121: {  	_ = 	snop;
	(pc) =	sbr.rel @p0 .LBB2_1-.Ltmp1, $3  }
0x122: {  	_ =	sdelay $0x1  }
0x123: {  	[sflag:s1] =	ssyncset.done $0x0  }
0x124: {  	[sflag:s1] =	ssyncadd.s32 $0xFFFF6000  }
0x125: {  	_ =	sfence.sel $0x180000  }
0x126: {  	[bflag:$0x0] =	sbarrier.arrive $0xFFFF  }
0x127: {  	_ =	strace $0x90000047  }
0x128: {  	s0 =	stileid.u32;
	[bflag:$0x2] =	sbarrier.arrive $0xFFFF  }
0x129: {  	p0 =	sne.s32 s0, $0x0;
	s0 =	rddreg [dreg:$0x3]  }
0x12a: {  	s0 =	sadd.s32 @!p0 $0x100000, s0  }
0x12b: {  	[sflag:s0] =	ssyncadd.tile.s32 @!p0 $0x1;
	_ =	shalt  }
.Lfunc_end2:
_tile_overlayer_lowered:
.L_overlay_start_2:
0x12c: {  	(tag) =	ssettag $0x2  }
0x12d: {  	s0 =	rddreg [dreg:$0x0];
	s2 =	stileid.u32  }
0x12e: {  	s1 =	rddreg [dreg:$0x1];
	p0 =	sne.s32 s2, $0x0  }
0x12f: {  	s3 =	rddreg [dreg:$0x2];
	[bflag:$0x3] =	sbarrier.arrive $0xFFFF;
	s2 =	simm.s32 @!p0 $0x1C04  }
0x130: {  	[timem:s3], [sflag:s2] =	dma.local @!p0 [hbm:s0], s1  }
0x131: {  	s0 =	simm.s32 @!p0 $0x4  }
0x132: {  	_ =	swait.ge @!p0 [sflag:s0], s1  }
0x133: {  	s1 =	ssub.s32 @!p0 $0x0, s1;
	[sflag:s0] =	ssyncset.done @!p0 $0x0  }
0x134: {  	[sflag:s0] =	ssyncadd.s32 @!p0 s1  }
0x135: {  	[bflag:$0x3] =	sbarrier.arrive $0xFFFF  }
0x136: {  	_ =	shalt  }

</sc_bundles>
